<compile_context>
chip_gen: v7x
topology: tpu7x:2x2x1
jax: 0.10.2.dev20260603
libtpu: 0.0.44.dev20260713+nightly
codegen_flags: <defaults>
</compile_context>

<pallas_src>
import functools

import jax
import jax.numpy as jnp
from jax import lax
from jax.experimental import pallas as pl
from jax.experimental.pallas import tpu as pltpu
from jax.experimental.pallas import tpu_sc as plsc

N_TOK = 16384
NE = 8192
D = 256
BM = 512
BMC = 1024

SC_NC = 2
SC_NS = 16
SC_NW = SC_NC * SC_NS
SC_CH = 128


def _transpose_body(cn_ref, cnt_ref):
    cnt_ref[...] = cn_ref[...].T


def _transpose_call(cn):
    return pl.pallas_call(
        _transpose_body,
        out_specs=pl.BlockSpec((D, NE), lambda: (0, 0)),
        out_shape=jax.ShapeDtypeStruct((D, NE), jnp.float32),
    )(cn)


def _argmin_body(z_ref, nrm_ref, z2n_ref, cnt_ref, c2_ref, idx_ref):
    zn = z_ref[...] / nrm_ref[...]
    s2 = lax.dot_general(zn * (-2.0), cnt_ref[...],
                         (((1,), (0,)), ((), ())),
                         preferred_element_type=jnp.float32)
    t = (z2n_ref[...] + c2_ref[...]) + s2
    idx_ref[0, 0, :] = jnp.argmin(t, axis=1).astype(jnp.int32)


def _argmin_call(z_flat, nrm, z2n, cnt, c2):
    nb = z_flat.shape[0] // BM
    return pl.pallas_call(
        _argmin_body,
        grid=(nb,),
        in_specs=[
            pl.BlockSpec((BM, D), lambda i: (i, 0)),
            pl.BlockSpec((BM, 1), lambda i: (i, 0)),
            pl.BlockSpec((BM, 1), lambda i: (i, 0)),
            pl.BlockSpec((D, NE), lambda i: (0, 0)),
            pl.BlockSpec((1, NE), lambda i: (0, 0)),
        ],
        out_specs=pl.BlockSpec((1, 1, BM), lambda i: (i, 0, 0)),
        out_shape=jax.ShapeDtypeStruct((nb, 1, BM), jnp.int32),
    )(z_flat, nrm, z2n, cnt, c2)


def _loss_body(nbc, z_ref, g_ref, loss_ref):
    i = pl.program_id(0)
    dlt = g_ref[...] - z_ref[...]
    ssq = jnp.sum(dlt * dlt, axis=(0, 1), keepdims=True)
    tot = jnp.where(i == 0, jnp.zeros_like(ssq), loss_ref[...]) + ssq
    loss_ref[...] = jnp.where(i == nbc - 1, tot * (1.25 / (N_TOK * D)), tot)


def _loss_call(z_flat, gathered):
    nbc = z_flat.shape[0] // BMC
    return pl.pallas_call(
        functools.partial(_loss_body, nbc),
        grid=(nbc,),
        in_specs=[
            pl.BlockSpec((BMC, D), lambda i: (i, 0)),
            pl.BlockSpec((BMC, D), lambda i: (i, 0)),
        ],
        out_specs=pl.BlockSpec((1, 1), lambda i: (0, 0)),
        out_shape=jax.ShapeDtypeStruct((1, 1), jnp.float32),
    )(z_flat, gathered)


def _sc_gather_body(bpw, cn_hbm, idx_hbm, out_hbm, idx_v, rows0, rows1, sem):
    wid = lax.axis_index("s") * SC_NC + lax.axis_index("c")
    base = wid * bpw
    nch = bpw // SC_CH
    rows = (rows0, rows1)
    pltpu.sync_copy(idx_hbm.at[pl.ds(base, bpw)], idx_v)

    def _start(c):
        return pltpu.async_copy(
            cn_hbm.at[idx_v.at[pl.ds(c * SC_CH, SC_CH)]], rows[c % 2], sem)

    cp = _start(0)
    for c in range(nch):
        cp.wait()
        nxt = _start(c + 1) if c + 1 < nch else None
        pltpu.sync_copy(rows[c % 2], out_hbm.at[pl.ds(base + c * SC_CH, SC_CH)])
        cp = nxt


@functools.cache
def _sc_gather(m):
    mesh = plsc.VectorSubcoreMesh(core_axis_name="c", subcore_axis_name="s")
    return pl.kernel(
        functools.partial(_sc_gather_body, m // SC_NW),
        out_type=jax.ShapeDtypeStruct((m, D), jnp.float32),
        mesh=mesh,
        scratch_types=[
            pltpu.VMEM((m // SC_NW,), jnp.int32),
            pltpu.VMEM((SC_CH, D), jnp.float32),
            pltpu.VMEM((SC_CH, D), jnp.float32),
            pltpu.SemaphoreType.DMA,
        ],
    )


def kernel(z, code):
    z_flat = z.reshape(N_TOK, D)
    nrm = jnp.maximum(
        jnp.linalg.norm(z_flat, axis=-1, keepdims=True), 1e-12)
    cn = code / jnp.maximum(
        jnp.linalg.norm(code, axis=-1, keepdims=True), 1e-12)
    z2n = jnp.sum((z_flat / nrm) ** 2, axis=1, keepdims=True)
    c2 = jnp.sum(cn ** 2, axis=1).reshape(1, NE)
    cnt = _transpose_call(cn)
    idx = _argmin_call(z_flat, nrm, z2n, cnt, c2).reshape(N_TOK)
    zq_flat = _sc_gather(N_TOK)(cn, idx)
    loss11 = _loss_call(z_flat, zq_flat)
    return (zq_flat.reshape(z.shape), loss11[0, 0], (None, None, idx))

# --- scband reference (transcript-rebuilt; emitter-appended) ---
"""Pipeline reference for scband-vector-quantize-simple-27633819583046 (READ-ONLY COPY).

The authoritative reference and input builder live on the scoring server;
editing this copy changes nothing except your own understanding.
"""

import jax, jax.numpy as jnp
import numpy as np

N_E = 8192
E_DIM = 256
BETA = 0.25

def _normalize(x):
    n = jnp.linalg.norm(x, axis=-1, keepdims=True)
    return x / jnp.maximum(n, 1e-12)

def setup_inputs(seed: int = 0):
    key = jax.random.key(seed)
    k1, k2 = jax.random.split(key)
    z = jax.random.normal(k1, (16, 1024, 256), dtype=jnp.float32)
    code = jax.random.uniform(k2, (N_E, E_DIM), dtype=jnp.float32, minval=-1.0 / N_E, maxval=1.0 / N_E)
    return {"z": z, "code": code}

def reference(z, code):
    z_flat = z.reshape(-1, E_DIM)
    z_n = _normalize(z_flat)
    c_n = _normalize(code)
    d = jnp.sum(z_n ** 2, axis=1, keepdims=True) + jnp.sum(c_n ** 2, axis=1) - 2.0 * jnp.einsum('bd,dn->bn', z_n, c_n.T)
    min_encoding_indices = jnp.argmin(d, axis=1)
    z_q = jnp.take(c_n, min_encoding_indices, axis=0).reshape(z.shape)
    # legacy=True branch
    loss = jnp.mean((jax.lax.stop_gradient(z_q) - z) ** 2) + BETA * jnp.mean((z_q - jax.lax.stop_gradient(z)) ** 2)
    z_q = z + jax.lax.stop_gradient(z_q - z)
    return (z_q, loss, (None, None, min_encoding_indices))

if __name__ == "__main__":
    import jax
    _d = setup_inputs()
    print(jax.jit(kernel)(*tuple(_d.values())))

</pallas_src>

<mosaic_0001>
#map = affine_map<(d0, d1) -> (0, 0)>
#map1 = affine_map<(d0, d1) -> (0)>
module attributes {stable_mosaic.version = 14 : i64} {
  func.func @_sc_gather_body(%arg0: i32, %arg1: i32, %arg2: memref<8192x256xf32, #tpu.memory_space<hbm>>, %arg3: memref<16384xi32, #tpu.memory_space<hbm>>, %arg4: memref<16384x256xf32, #tpu.memory_space<hbm>>, %arg5: memref<512xi32, #tpu.memory_space<vmem>>, %arg6: memref<128x256xf32, #tpu.memory_space<vmem>>, %arg7: memref<128x256xf32, #tpu.memory_space<vmem>>, %arg8: memref<!tpu.dma_semaphore, #tpu.memory_space<semaphore_mem>>) attributes {dimension_semantics = [#tpu.dimension_semantics<core_parallel>, #tpu.dimension_semantics<subcore_parallel>], iteration_bounds = array<i64: 2, 16>, scalar_prefetch = 0 : i64, scratch_operands = 4 : i64, tpu.core_type = #tpu.core_type<sc_vector_subcore>, window_params = [{transform_indices = #map}, {transform_indices = #map1}, {transform_indices = #map}]} {
    %mul3A = arith.constant 2 : i32
    %mul3A_0 = arith.muli %arg1, %mul3A : i32
    %add3A = arith.addi %mul3A_0, %arg0 : i32
    %mul3A_1 = arith.constant 512 : i32
    %mul3A_2 = arith.muli %add3A, %mul3A_1 : i32
    "tpu.region"() ({
      %run_scoped3A = tpu.sem_alloc : memref<!tpu.dma_semaphore, #tpu.memory_space<semaphore_mem>>
      %dma_start3A_49 = tpu.memref_slice %arg3[%mul3A_2] : memref<16384xi32, #tpu.memory_space<hbm>> -> memref<512xi32, #tpu.memory_space<hbm>>
      %dma_start3A_50 = tpu.memref_slice %arg3[%mul3A_2] : memref<16384xi32, #tpu.memory_space<hbm>> -> memref<512xi32, #tpu.memory_space<hbm>>
      tpu.enqueue_dma source(%dma_start3A_50 : memref<512xi32, #tpu.memory_space<hbm>>) target(%arg5 : memref<512xi32, #tpu.memory_space<vmem>>) target_semaphore(%run_scoped3A : memref<!tpu.dma_semaphore, #tpu.memory_space<semaphore_mem>>)
      %dma_wait3A_51 = tpu.memref_slice %arg3[%mul3A_2] : memref<16384xi32, #tpu.memory_space<hbm>> -> memref<512xi32, #tpu.memory_space<hbm>>
      %dma_wait3A_52 = tpu.memref_slice %arg3[%mul3A_2] : memref<16384xi32, #tpu.memory_space<hbm>> -> memref<512xi32, #tpu.memory_space<hbm>>
      tpu.wait_dma2 semaphore(%run_scoped3A : memref<!tpu.dma_semaphore, #tpu.memory_space<semaphore_mem>>) src(%dma_wait3A_52 : memref<512xi32, #tpu.memory_space<hbm>>) dst(%arg5 : memref<512xi32, #tpu.memory_space<vmem>>)
      tpu.yield
    }) : () -> ()
    %dma_start3A = arith.constant 0 : i32
    %dma_start3A_3 = tpu.memref_slice %arg5[%dma_start3A] : memref<512xi32, #tpu.memory_space<vmem>> -> memref<128xi32, #tpu.memory_space<vmem>>
    %dma_start3A_4 = arith.constant 0 : i32
    %dma_start3A_5 = arith.constant 0 : i32
    %dma_start3A_6 = tpu.memref_slice %arg2[%dma_start3A_4, %dma_start3A_5] : memref<8192x256xf32, #tpu.memory_space<hbm>> -> memref<8192x256xf32, #tpu.memory_space<hbm>>
    tpu.enqueue_indirect_dma source(%dma_start3A_6 : memref<8192x256xf32, #tpu.memory_space<hbm>>) target(%arg6 : memref<128x256xf32, #tpu.memory_space<vmem>>) offsets(%dma_start3A_3 : memref<128xi32, #tpu.memory_space<vmem>>) semaphore(%arg8 : memref<!tpu.dma_semaphore, #tpu.memory_space<semaphore_mem>>)
    %dma_wait3A = arith.constant 0 : i32
    %dma_wait3A_7 = tpu.memref_slice %arg5[%dma_wait3A] : memref<512xi32, #tpu.memory_space<vmem>> -> memref<128xi32, #tpu.memory_space<vmem>>
    %dma_wait3A_8 = arith.constant 0 : i32
    %dma_wait3A_9 = arith.constant 0 : i32
    %dma_wait3A_10 = tpu.memref_slice %arg2[%dma_wait3A_8, %dma_wait3A_9] : memref<8192x256xf32, #tpu.memory_space<hbm>> -> memref<8192x256xf32, #tpu.memory_space<hbm>>
    tpu.wait_indirect_dma semaphore(%arg8 : memref<!tpu.dma_semaphore, #tpu.memory_space<semaphore_mem>>) src(%dma_wait3A_10 : memref<8192x256xf32, #tpu.memory_space<hbm>>) dst(%arg6 : memref<128x256xf32, #tpu.memory_space<vmem>>)
    %dma_start3A_11 = arith.constant 128 : i32
    %dma_start3A_12 = tpu.memref_slice %arg5[%dma_start3A_11] : memref<512xi32, #tpu.memory_space<vmem>> -> memref<128xi32, #tpu.memory_space<vmem>>
    %dma_start3A_13 = arith.constant 0 : i32
    %dma_start3A_14 = arith.constant 0 : i32
    %dma_start3A_15 = tpu.memref_slice %arg2[%dma_start3A_13, %dma_start3A_14] : memref<8192x256xf32, #tpu.memory_space<hbm>> -> memref<8192x256xf32, #tpu.memory_space<hbm>>
    tpu.enqueue_indirect_dma source(%dma_start3A_15 : memref<8192x256xf32, #tpu.memory_space<hbm>>) target(%arg7 : memref<128x256xf32, #tpu.memory_space<vmem>>) offsets(%dma_start3A_12 : memref<128xi32, #tpu.memory_space<vmem>>) semaphore(%arg8 : memref<!tpu.dma_semaphore, #tpu.memory_space<semaphore_mem>>)
    %add3A_16 = arith.constant 0 : i32
    %add3A_17 = arith.addi %mul3A_2, %add3A_16 : i32
    "tpu.region"() ({
      %run_scoped3A = tpu.sem_alloc : memref<!tpu.dma_semaphore, #tpu.memory_space<semaphore_mem>>
      %dma_start3A_49 = arith.constant 0 : i32
      %dma_start3A_50 = tpu.memref_slice %arg4[%add3A_17, %dma_start3A_49] : memref<16384x256xf32, #tpu.memory_space<hbm>> -> memref<128x256xf32, #tpu.memory_space<hbm>>
      %dma_start3A_51 = arith.constant 0 : i32
      %dma_start3A_52 = tpu.memref_slice %arg4[%add3A_17, %dma_start3A_51] : memref<16384x256xf32, #tpu.memory_space<hbm>> -> memref<128x256xf32, #tpu.memory_space<hbm>>
      tpu.enqueue_dma source(%arg6 : memref<128x256xf32, #tpu.memory_space<vmem>>) target(%dma_start3A_52 : memref<128x256xf32, #tpu.memory_space<hbm>>) target_semaphore(%run_scoped3A : memref<!tpu.dma_semaphore, #tpu.memory_space<semaphore_mem>>)
      %dma_wait3A_53 = arith.constant 0 : i32
      %dma_wait3A_54 = tpu.memref_slice %arg4[%add3A_17, %dma_wait3A_53] : memref<16384x256xf32, #tpu.memory_space<hbm>> -> memref<128x256xf32, #tpu.memory_space<hbm>>
      %dma_wait3A_55 = arith.constant 0 : i32
      %dma_wait3A_56 = tpu.memref_slice %arg4[%add3A_17, %dma_wait3A_55] : memref<16384x256xf32, #tpu.memory_space<hbm>> -> memref<128x256xf32, #tpu.memory_space<hbm>>
      tpu.wait_dma2 semaphore(%run_scoped3A : memref<!tpu.dma_semaphore, #tpu.memory_space<semaphore_mem>>) src(%arg6 : memref<128x256xf32, #tpu.memory_space<vmem>>) dst(%dma_wait3A_56 : memref<128x256xf32, #tpu.memory_space<hbm>>)
      tpu.yield
    }) : () -> ()
    %dma_wait3A_18 = arith.constant 128 : i32
    %dma_wait3A_19 = tpu.memref_slice %arg5[%dma_wait3A_18] : memref<512xi32, #tpu.memory_space<vmem>> -> memref<128xi32, #tpu.memory_space<vmem>>
    %dma_wait3A_20 = arith.constant 0 : i32
    %dma_wait3A_21 = arith.constant 0 : i32
    %dma_wait3A_22 = tpu.memref_slice %arg2[%dma_wait3A_20, %dma_wait3A_21] : memref<8192x256xf32, #tpu.memory_space<hbm>> -> memref<8192x256xf32, #tpu.memory_space<hbm>>
    tpu.wait_indirect_dma semaphore(%arg8 : memref<!tpu.dma_semaphore, #tpu.memory_space<semaphore_mem>>) src(%dma_wait3A_22 : memref<8192x256xf32, #tpu.memory_space<hbm>>) dst(%arg7 : memref<128x256xf32, #tpu.memory_space<vmem>>)
    %dma_start3A_23 = arith.constant 256 : i32
    %dma_start3A_24 = tpu.memref_slice %arg5[%dma_start3A_23] : memref<512xi32, #tpu.memory_space<vmem>> -> memref<128xi32, #tpu.memory_space<vmem>>
    %dma_start3A_25 = arith.constant 0 : i32
    %dma_start3A_26 = arith.constant 0 : i32
    %dma_start3A_27 = tpu.memref_slice %arg2[%dma_start3A_25, %dma_start3A_26] : memref<8192x256xf32, #tpu.memory_space<hbm>> -> memref<8192x256xf32, #tpu.memory_space<hbm>>
    tpu.enqueue_indirect_dma source(%dma_start3A_27 : memref<8192x256xf32, #tpu.memory_space<hbm>>) target(%arg6 : memref<128x256xf32, #tpu.memory_space<vmem>>) offsets(%dma_start3A_24 : memref<128xi32, #tpu.memory_space<vmem>>) semaphore(%arg8 : memref<!tpu.dma_semaphore, #tpu.memory_space<semaphore_mem>>)
    %add3A_28 = arith.constant 128 : i32
    %add3A_29 = arith.addi %mul3A_2, %add3A_28 : i32
    "tpu.region"() ({
      %run_scoped3A = tpu.sem_alloc : memref<!tpu.dma_semaphore, #tpu.memory_space<semaphore_mem>>
      %dma_start3A_49 = arith.constant 0 : i32
      %dma_start3A_50 = tpu.memref_slice %arg4[%add3A_29, %dma_start3A_49] : memref<16384x256xf32, #tpu.memory_space<hbm>> -> memref<128x256xf32, #tpu.memory_space<hbm>>
      %dma_start3A_51 = arith.constant 0 : i32
      %dma_start3A_52 = tpu.memref_slice %arg4[%add3A_29, %dma_start3A_51] : memref<16384x256xf32, #tpu.memory_space<hbm>> -> memref<128x256xf32, #tpu.memory_space<hbm>>
      tpu.enqueue_dma source(%arg7 : memref<128x256xf32, #tpu.memory_space<vmem>>) target(%dma_start3A_52 : memref<128x256xf32, #tpu.memory_space<hbm>>) target_semaphore(%run_scoped3A : memref<!tpu.dma_semaphore, #tpu.memory_space<semaphore_mem>>)
      %dma_wait3A_53 = arith.constant 0 : i32
      %dma_wait3A_54 = tpu.memref_slice %arg4[%add3A_29, %dma_wait3A_53] : memref<16384x256xf32, #tpu.memory_space<hbm>> -> memref<128x256xf32, #tpu.memory_space<hbm>>
      %dma_wait3A_55 = arith.constant 0 : i32
      %dma_wait3A_56 = tpu.memref_slice %arg4[%add3A_29, %dma_wait3A_55] : memref<16384x256xf32, #tpu.memory_space<hbm>> -> memref<128x256xf32, #tpu.memory_space<hbm>>
      tpu.wait_dma2 semaphore(%run_scoped3A : memref<!tpu.dma_semaphore, #tpu.memory_space<semaphore_mem>>) src(%arg7 : memref<128x256xf32, #tpu.memory_space<vmem>>) dst(%dma_wait3A_56 : memref<128x256xf32, #tpu.memory_space<hbm>>)
      tpu.yield
    }) : () -> ()
    %dma_wait3A_30 = arith.constant 256 : i32
    %dma_wait3A_31 = tpu.memref_slice %arg5[%dma_wait3A_30] : memref<512xi32, #tpu.memory_space<vmem>> -> memref<128xi32, #tpu.memory_space<vmem>>
    %dma_wait3A_32 = arith.constant 0 : i32
    %dma_wait3A_33 = arith.constant 0 : i32
    %dma_wait3A_34 = tpu.memref_slice %arg2[%dma_wait3A_32, %dma_wait3A_33] : memref<8192x256xf32, #tpu.memory_space<hbm>> -> memref<8192x256xf32, #tpu.memory_space<hbm>>
    tpu.wait_indirect_dma semaphore(%arg8 : memref<!tpu.dma_semaphore, #tpu.memory_space<semaphore_mem>>) src(%dma_wait3A_34 : memref<8192x256xf32, #tpu.memory_space<hbm>>) dst(%arg6 : memref<128x256xf32, #tpu.memory_space<vmem>>)
    %dma_start3A_35 = arith.constant 384 : i32
    %dma_start3A_36 = tpu.memref_slice %arg5[%dma_start3A_35] : memref<512xi32, #tpu.memory_space<vmem>> -> memref<128xi32, #tpu.memory_space<vmem>>
    %dma_start3A_37 = arith.constant 0 : i32
    %dma_start3A_38 = arith.constant 0 : i32
    %dma_start3A_39 = tpu.memref_slice %arg2[%dma_start3A_37, %dma_start3A_38] : memref<8192x256xf32, #tpu.memory_space<hbm>> -> memref<8192x256xf32, #tpu.memory_space<hbm>>
    tpu.enqueue_indirect_dma source(%dma_start3A_39 : memref<8192x256xf32, #tpu.memory_space<hbm>>) target(%arg7 : memref<128x256xf32, #tpu.memory_space<vmem>>) offsets(%dma_start3A_36 : memref<128xi32, #tpu.memory_space<vmem>>) semaphore(%arg8 : memref<!tpu.dma_semaphore, #tpu.memory_space<semaphore_mem>>)
    %add3A_40 = arith.constant 256 : i32
    %add3A_41 = arith.addi %mul3A_2, %add3A_40 : i32
    "tpu.region"() ({
      %run_scoped3A = tpu.sem_alloc : memref<!tpu.dma_semaphore, #tpu.memory_space<semaphore_mem>>
      %dma_start3A_49 = arith.constant 0 : i32
      %dma_start3A_50 = tpu.memref_slice %arg4[%add3A_41, %dma_start3A_49] : memref<16384x256xf32, #tpu.memory_space<hbm>> -> memref<128x256xf32, #tpu.memory_space<hbm>>
      %dma_start3A_51 = arith.constant 0 : i32
      %dma_start3A_52 = tpu.memref_slice %arg4[%add3A_41, %dma_start3A_51] : memref<16384x256xf32, #tpu.memory_space<hbm>> -> memref<128x256xf32, #tpu.memory_space<hbm>>
      tpu.enqueue_dma source(%arg6 : memref<128x256xf32, #tpu.memory_space<vmem>>) target(%dma_start3A_52 : memref<128x256xf32, #tpu.memory_space<hbm>>) target_semaphore(%run_scoped3A : memref<!tpu.dma_semaphore, #tpu.memory_space<semaphore_mem>>)
      %dma_wait3A_53 = arith.constant 0 : i32
      %dma_wait3A_54 = tpu.memref_slice %arg4[%add3A_41, %dma_wait3A_53] : memref<16384x256xf32, #tpu.memory_space<hbm>> -> memref<128x256xf32, #tpu.memory_space<hbm>>
      %dma_wait3A_55 = arith.constant 0 : i32
      %dma_wait3A_56 = tpu.memref_slice %arg4[%add3A_41, %dma_wait3A_55] : memref<16384x256xf32, #tpu.memory_space<hbm>> -> memref<128x256xf32, #tpu.memory_space<hbm>>
      tpu.wait_dma2 semaphore(%run_scoped3A : memref<!tpu.dma_semaphore, #tpu.memory_space<semaphore_mem>>) src(%arg6 : memref<128x256xf32, #tpu.memory_space<vmem>>) dst(%dma_wait3A_56 : memref<128x256xf32, #tpu.memory_space<hbm>>)
      tpu.yield
    }) : () -> ()
    %dma_wait3A_42 = arith.constant 384 : i32
    %dma_wait3A_43 = tpu.memref_slice %arg5[%dma_wait3A_42] : memref<512xi32, #tpu.memory_space<vmem>> -> memref<128xi32, #tpu.memory_space<vmem>>
    %dma_wait3A_44 = arith.constant 0 : i32
    %dma_wait3A_45 = arith.constant 0 : i32
    %dma_wait3A_46 = tpu.memref_slice %arg2[%dma_wait3A_44, %dma_wait3A_45] : memref<8192x256xf32, #tpu.memory_space<hbm>> -> memref<8192x256xf32, #tpu.memory_space<hbm>>
    tpu.wait_indirect_dma semaphore(%arg8 : memref<!tpu.dma_semaphore, #tpu.memory_space<semaphore_mem>>) src(%dma_wait3A_46 : memref<8192x256xf32, #tpu.memory_space<hbm>>) dst(%arg7 : memref<128x256xf32, #tpu.memory_space<vmem>>)
    %add3A_47 = arith.constant 384 : i32
    %add3A_48 = arith.addi %mul3A_2, %add3A_47 : i32
    "tpu.region"() ({
      %run_scoped3A = tpu.sem_alloc : memref<!tpu.dma_semaphore, #tpu.memory_space<semaphore_mem>>
      %dma_start3A_49 = arith.constant 0 : i32
      %dma_start3A_50 = tpu.memref_slice %arg4[%add3A_48, %dma_start3A_49] : memref<16384x256xf32, #tpu.memory_space<hbm>> -> memref<128x256xf32, #tpu.memory_space<hbm>>
      %dma_start3A_51 = arith.constant 0 : i32
      %dma_start3A_52 = tpu.memref_slice %arg4[%add3A_48, %dma_start3A_51] : memref<16384x256xf32, #tpu.memory_space<hbm>> -> memref<128x256xf32, #tpu.memory_space<hbm>>
      tpu.enqueue_dma source(%arg7 : memref<128x256xf32, #tpu.memory_space<vmem>>) target(%dma_start3A_52 : memref<128x256xf32, #tpu.memory_space<hbm>>) target_semaphore(%run_scoped3A : memref<!tpu.dma_semaphore, #tpu.memory_space<semaphore_mem>>)
      %dma_wait3A_53 = arith.constant 0 : i32
      %dma_wait3A_54 = tpu.memref_slice %arg4[%add3A_48, %dma_wait3A_53] : memref<16384x256xf32, #tpu.memory_space<hbm>> -> memref<128x256xf32, #tpu.memory_space<hbm>>
      %dma_wait3A_55 = arith.constant 0 : i32
      %dma_wait3A_56 = tpu.memref_slice %arg4[%add3A_48, %dma_wait3A_55] : memref<16384x256xf32, #tpu.memory_space<hbm>> -> memref<128x256xf32, #tpu.memory_space<hbm>>
      tpu.wait_dma2 semaphore(%run_scoped3A : memref<!tpu.dma_semaphore, #tpu.memory_space<semaphore_mem>>) src(%arg7 : memref<128x256xf32, #tpu.memory_space<vmem>>) dst(%dma_wait3A_56 : memref<128x256xf32, #tpu.memory_space<hbm>>)
      tpu.yield
    }) : () -> ()
    return
  }
}

module attributes {stable_mosaic.version = 14 : i64} {
  func.func @_transpose_body(%arg0: memref<8192x256xf32, #tpu.memory_space<vmem>>, %arg1: memref<256x8192xf32, #tpu.memory_space<vmem>>) attributes {dimension_semantics = [], scalar_prefetch = 0 : i64, scratch_operands = 0 : i64, tpu.core_type = #tpu.core_type<tc>} {
    %get3A = arith.constant 0 : index
    %get3A_0 = arith.constant 0 : index
    %get3A_1 = vector.load %arg0[%get3A, %get3A_0] : memref<8192x256xf32, #tpu.memory_space<vmem>>, vector<8192x256xf32>
    %transpose3A = tpu.transpose %get3A_1, [1, 0] : vector<8192x256xf32> -> vector<256x8192xf32>
    %swap3A = arith.constant 0 : index
    %swap3A_2 = arith.constant 0 : index
    %swap3A_3 = vector.load %arg1[%swap3A, %swap3A_2] : memref<256x8192xf32, #tpu.memory_space<vmem>>, vector<256x8192xf32>
    tpu.vector_store %arg1[%swap3A, %swap3A_2], %transpose3A {strides = array<i32>} : memref<256x8192xf32, #tpu.memory_space<vmem>>, vector<256x8192xf32>,
    return
  }
}

module attributes {stable_mosaic.version = 14 : i64} {
  func.func @_loss_body(%arg0: i32, %arg1: memref<1024x256xf32, #tpu.memory_space<vmem>>, %arg2: memref<1024x256xf32, #tpu.memory_space<vmem>>, %arg3: memref<1x1xf32, #tpu.memory_space<vmem>>) attributes {dimension_semantics = [#tpu.dimension_semantics<arbitrary>], iteration_bounds = array<i64: 16>, scalar_prefetch = 0 : i64, scratch_operands = 0 : i64, tpu.core_type = #tpu.core_type<tc>, window_params = [{transform_indices = @transform_0, window_bounds = array<i64: 1024, 256>}, {transform_indices = @transform_1, window_bounds = array<i64: 1024, 256>}, {pipeline_mode = #tpu.pipeline_mode<synchronous>, transform_indices = @transform_2, window_bounds = array<i64: 1, 1>}]} {
    %get3A = arith.constant 0 : index
    %get3A_0 = arith.constant 0 : index
    %get3A_1 = vector.load %arg2[%get3A, %get3A_0] : memref<1024x256xf32, #tpu.memory_space<vmem>>, vector<1024x256xf32>
    %get3A_2 = arith.constant 0 : index
    %get3A_3 = arith.constant 0 : index
    %get3A_4 = vector.load %arg1[%get3A_2, %get3A_3] : memref<1024x256xf32, #tpu.memory_space<vmem>>, vector<1024x256xf32>
    %sub3A = arith.subf %get3A_1, %get3A_4 : vector<1024x256xf32>
    %mul3A = arith.mulf %sub3A, %sub3A : vector<1024x256xf32>
    %reduce_sum3A = vector.shape_cast %mul3A : vector<1024x256xf32> to vector<1x1024x256xf32>
    %reduce_sum3A_5 = arith.constant dense<0.000000e+00> : vector<1xf32>
    %reduce_sum3A_6 = vector.multi_reduction <add>, %reduce_sum3A, %reduce_sum3A_5 [1, 2] : vector<1x1024x256xf32> to vector<1xf32>
    %reduce_sum3A_7 = vector.shape_cast %reduce_sum3A_6 : vector<1xf32> to vector<1x1x1xf32>
    %reduce_sum3A_8 = vector.extract %reduce_sum3A_7[0, 0, 0] : f32 from vector<1x1x1xf32>
    %broadcast_in_dim3A = vector.broadcast %reduce_sum3A_8 : f32 to vector<1x1xf32>
    %eq3A = arith.constant 0 : i32
    %eq3A_9 = arith.cmpi eq, %arg0, %eq3A : i32
    %broadcast_in_dim3A_10 = arith.constant 0.000000e+00 : f32
    %broadcast_in_dim3A_11 = vector.broadcast %broadcast_in_dim3A_10 : f32 to vector<1x1xf32>
    %get3A_12 = arith.constant 0 : index
    %get3A_13 = arith.constant 0 : index
    %get3A_14 = vector.load %arg3[%get3A_12, %get3A_13] : memref<1x1xf32, #tpu.memory_space<vmem>>, vector<1x1xf32>
    %select_n3A = arith.select %eq3A_9, %broadcast_in_dim3A_11, %get3A_14 : vector<1x1xf32>
    %add3A = arith.addf %select_n3A, %broadcast_in_dim3A : vector<1x1xf32>
    %eq3A_15 = arith.constant 15 : i32
    %eq3A_16 = arith.cmpi eq, %arg0, %eq3A_15 : i32
    %mul3A_17 = arith.constant 2.98023224E-7 : f32
    %mul3A_18 = vector.broadcast %mul3A_17 : f32 to vector<1x1xf32>
    %mul3A_19 = arith.mulf %add3A, %mul3A_18 : vector<1x1xf32>
    %select_n3A_20 = arith.select %eq3A_16, %mul3A_19, %add3A : vector<1x1xf32>
    %swap3A = arith.constant 0 : index
    %swap3A_21 = arith.constant 0 : index
    %swap3A_22 = vector.load %arg3[%swap3A, %swap3A_21] : memref<1x1xf32, #tpu.memory_space<vmem>>, vector<1x1xf32>
    tpu.vector_store %arg3[%swap3A, %swap3A_21], %select_n3A_20 {strides = array<i32>} : memref<1x1xf32, #tpu.memory_space<vmem>>, vector<1x1xf32>,
    return
  }
  func.func @transform_0(%arg0: i32) -> (i32, i32) {
    %c0_i32 = arith.constant 0 : i32
    %c0_i32_0 = arith.constant 0 : i32
    return %arg0, %c0_i32 : i32, i32
  }
  func.func @transform_1(%arg0: i32) -> (i32, i32) {
    %c0_i32 = arith.constant 0 : i32
    %c0_i32_0 = arith.constant 0 : i32
    return %arg0, %c0_i32 : i32, i32
  }
  func.func @transform_2(%arg0: i32) -> (i32, i32) {
    %c0_i32 = arith.constant 0 : i32
    %c0_i32_0 = arith.constant 0 : i32
    %c0_i32_1 = arith.constant 0 : i32
    return %c0_i32, %c0_i32_0 : i32, i32
  }
}

module attributes {stable_mosaic.version = 14 : i64} {
  func.func @_argmin_body(%arg0: i32, %arg1: memref<512x256xf32, #tpu.memory_space<vmem>>, %arg2: memref<512x1xf32, #tpu.memory_space<vmem>>, %arg3: memref<512x1xf32, #tpu.memory_space<vmem>>, %arg4: memref<256x8192xf32, #tpu.memory_space<vmem>>, %arg5: memref<1x8192xf32, #tpu.memory_space<vmem>>, %arg6: memref<1x1x512xi32, #tpu.memory_space<vmem>>) attributes {dimension_semantics = [#tpu.dimension_semantics<arbitrary>], iteration_bounds = array<i64: 32>, scalar_prefetch = 0 : i64, scratch_operands = 0 : i64, tpu.core_type = #tpu.core_type<tc>, window_params = [{transform_indices = @transform_0, window_bounds = array<i64: 512, 256>}, {transform_indices = @transform_1, window_bounds = array<i64: 512, 1>}, {transform_indices = @transform_2, window_bounds = array<i64: 512, 1>}, {pipeline_mode = #tpu.pipeline_mode<synchronous>, transform_indices = @transform_3, window_bounds = array<i64: 256, 8192>}, {pipeline_mode = #tpu.pipeline_mode<synchronous>, transform_indices = @transform_4, window_bounds = array<i64: 1, 8192>}, {transform_indices = @transform_5, window_bounds = array<i64: 1, 1, 512>}]} {
    %get3A = arith.constant 0 : index
    %get3A_0 = arith.constant 0 : index
    %get3A_1 = vector.load %arg1[%get3A, %get3A_0] : memref<512x256xf32, #tpu.memory_space<vmem>>, vector<512x256xf32>
    %get3A_2 = arith.constant 0 : index
    %get3A_3 = arith.constant 0 : index
    %get3A_4 = vector.load %arg2[%get3A_2, %get3A_3] : memref<512x1xf32, #tpu.memory_space<vmem>>, vector<512x1xf32>
    %div3A = vector.broadcast %get3A_4 : vector<512x1xf32> to vector<512x256xf32>
    %div3A_5 = arith.divf %get3A_1, %div3A : vector<512x256xf32>
    %mul3A = arith.constant -2.000000e+00 : f32
    %mul3A_6 = vector.broadcast %mul3A : f32 to vector<512x256xf32>
    %mul3A_7 = arith.mulf %div3A_5, %mul3A_6 : vector<512x256xf32>
    %get3A_8 = arith.constant 0 : index
    %get3A_9 = arith.constant 0 : index
    %get3A_10 = vector.load %arg4[%get3A_8, %get3A_9] : memref<256x8192xf32, #tpu.memory_space<vmem>>, vector<256x8192xf32>
    %dot_general3A = arith.constant dense<0.000000e+00> : vector<512x8192xf32>
    %dot_general3A_11 = tpu.matmul %mul3A_7, %get3A_10, %dot_general3A {dimension_numbers = #tpu.dot_dimension_numbers<[1], [0], [0], [1], [0, 0, 1, 1], [], []>, transpose_lhs_hint = false} : vector<512x256xf32>, vector<256x8192xf32>, vector<512x8192xf32> -> vector<512x8192xf32>
    %get3A_12 = arith.constant 0 : index
    %get3A_13 = arith.constant 0 : index
    %get3A_14 = vector.load %arg3[%get3A_12, %get3A_13] : memref<512x1xf32, #tpu.memory_space<vmem>>, vector<512x1xf32>
    %get3A_15 = arith.constant 0 : index
    %get3A_16 = arith.constant 0 : index
    %get3A_17 = vector.load %arg5[%get3A_15, %get3A_16] : memref<1x8192xf32, #tpu.memory_space<vmem>>, vector<1x8192xf32>
    %add3A = vector.broadcast %get3A_14 : vector<512x1xf32> to vector<512x8192xf32>
    %add3A_18 = vector.broadcast %get3A_17 : vector<1x8192xf32> to vector<512x8192xf32>
    %add3A_19 = arith.addf %add3A, %add3A_18 : vector<512x8192xf32>
    %add3A_20 = arith.addf %add3A_19, %dot_general3A_11 : vector<512x8192xf32>
    %argmin3A = tpu.reduce_index %add3A_20 {axis = 1 : i32, kind = #tpu.reduction_kind<arg_min>} : vector<512x8192xf32> -> vector<512xi32>
    %swap3A = arith.constant 0 : index
    %swap3A_21 = arith.constant 0 : index
    %swap3A_22 = arith.constant 0 : index
    %swap3A_23 = vector.load %arg6[%swap3A, %swap3A_21, %swap3A_22] : memref<1x1x512xi32, #tpu.memory_space<vmem>>, vector<1x1x512xi32>
    %swap3A_24 = vector.shape_cast %swap3A_23 : vector<1x1x512xi32> to vector<512xi32>
    %swap3A_25 = vector.shape_cast %argmin3A : vector<512xi32> to vector<1x1x512xi32>
    tpu.vector_store %arg6[%swap3A, %swap3A_21, %swap3A_22], %swap3A_25 {strides = array<i32>} : memref<1x1x512xi32, #tpu.memory_space<vmem>>, vector<1x1x512xi32>,
    return
  }
  func.func @transform_0(%arg0: i32) -> (i32, i32) {
    %c0_i32 = arith.constant 0 : i32
    %c0_i32_0 = arith.constant 0 : i32
    return %arg0, %c0_i32 : i32, i32
  }
  func.func @transform_1(%arg0: i32) -> (i32, i32) {
    %c0_i32 = arith.constant 0 : i32
    %c0_i32_0 = arith.constant 0 : i32
    return %arg0, %c0_i32 : i32, i32
  }
  func.func @transform_2(%arg0: i32) -> (i32, i32) {
    %c0_i32 = arith.constant 0 : i32
    %c0_i32_0 = arith.constant 0 : i32
    return %arg0, %c0_i32 : i32, i32
  }
  func.func @transform_3(%arg0: i32) -> (i32, i32) {
    %c0_i32 = arith.constant 0 : i32
    %c0_i32_0 = arith.constant 0 : i32
    %c0_i32_1 = arith.constant 0 : i32
    return %c0_i32, %c0_i32_0 : i32, i32
  }
  func.func @transform_4(%arg0: i32) -> (i32, i32) {
    %c0_i32 = arith.constant 0 : i32
    %c0_i32_0 = arith.constant 0 : i32
    %c0_i32_1 = arith.constant 0 : i32
    return %c0_i32, %c0_i32_0 : i32, i32
  }
  func.func @transform_5(%arg0: i32) -> (i32, i32, i32) {
    %c0_i32 = arith.constant 0 : i32
    %c0_i32_0 = arith.constant 0 : i32
    %c0_i32_1 = arith.constant 0 : i32
    return %arg0, %c0_i32, %c0_i32_0 : i32, i32, i32
  }
}

</mosaic_0001>

<sc_bundles>
// kernel: kernel.6.cloned.1.call-start
scs
__scs_entry_jumppad:
0x0: {  	(pc) =	sbr.rel $0x88, $3  }
0x1: {  	(tag) =	ssettag $0x0;
	lr =	simm.s32 $0x1  }
0x2: {  	[smem:$0x3F9F] =	sst lr;
	_ =	strace $0xD0000000  }
0x3: {  	_ = 	snop  }
0x4: {  	_ = 	snop  }
0x5: {  	_ = 	snop  }
0x6: {  	_ = 	snop  }
0x7: {  	_ = 	snop  }
__scs_overlays_trampoline_lowered:
0x8: {  	[smem:$0x3FAE] =	sst s0  }
0x9: {  	[smem:$0x3FAF] =	sst s1  }
0xa: {  	[smem:$0x3FB0] =	sst s2  }
0xb: {  	[smem:$0x3FB1] =	sst s3  }
0xc: {  	[smem:$0x3FB2] =	sst s4  }
0xd: {  	[smem:$0x3FB3] =	sst s5  }
0xe: {  	[smem:$0x3FB4] =	sst s6  }
0xf: {  	[smem:$0x3FB5] =	sst s7  }
0x10: {  	[smem:$0x3FB6] =	sst s8  }
0x11: {  	[smem:$0x3FB7] =	sst s9;
	s0 =	simm.s32 @!p0 $0x0  }
0x12: {  	s1 =	sld [smem:$0x3F9D];
	s0 =	simm.s32 @p0 $0x1  }
0x13: {  	[smem:$0x3FB8] =	sst s0;
	s0 =	simm.s32 @!p1 $0x0  }
0x14: {  	s2 =	sld [smem:$0x3F9C];
	s0 =	simm.s32 @p1 $0x1  }
0x15: {  	[smem:$0x3FB9] =	sst s0;
	s0 =	simm.s32 @!p2 $0x0  }
0x16: {  	s3 =	sld [smem:$0x3FDB];
	s0 =	simm.s32 @p2 $0x1  }
0x17: {  	s4 =	simm.s32 $0x1BF5;
	[smem:$0x3FBB] =	sst s0  }
0x18: {  	s0 =	sld [smem:$0x3F9E];
	_ =	swait.ge [sflag:s4], $0x0  }
0x19: {  	s7 =	sld [smem:$0x3F9F]  }
0x1a: {  	s8 =	sadd.s32 $0xFFFFE003, lr  }
0x1b: {  	s9 =	sadd.s32 $0xFFFFFEF7, lr;
	s5 =	simm.s32 $0xFFFFFFFF;
	p2 =	slt.u32 s8, $0xFFFFF086  }
0x1c: {  	p1 =	slt.u32 s9, $0xF7A;
	s5 =	simm.s32 @!p2 $0x0  }
0x1d: {  	s5 =	simm.s32 @p1 $0x1;
	p0 =	seq.s32 s7, s2  }
0x1e: {  	s7 =	smul.u32 @!p0 $0xF7A, s2;
	p2 =	seq.s32 @!p0 s5, $0x0  }
0x1f: {  	s9 =	smul.u32 $0xF7A, s1;
	s8 =	simm.s32 @!p0 $0x1BF5;
	p2 =	por !p2, p0  }
0x20: {  	[sflag:s8] =	ssyncset.s32 @!p0 $0xFFFFF086;
	s6 =	sadd.s32 @!p0 s3, s7;
	s7 =	simm.s32 @!p0 $0x108  }
0x21: {  	s3 =	sadd.s32 s3, s9;
	s6 =	sadd.s32 @!p0 $0x88, s6;
	s7 =	simm.s32 @p2 $0x1082  }
0x22: {  	[simem:s7], [sflag:s8] =	dma.local @!p0 [hbm:s6], $0xF7A  }
0x23: {  	s9 =	sor.u32 $0xD0000000, s2;
	s6 =	simm.s32 $0x108;
	_ =	swait.ge @!p0 [sflag:s8], $0x0  }
0x24: {  	s3 =	sadd.s32 $0x88, s3;
	s6 =	simm.s32 @!p1 $0x1082;
	[sflag:s4] =	ssyncset.s32 $0xFFFFF086  }
0x25: {  	[simem:s6], [sflag:s4] =	dma.local [hbm:s3], $0xF7A  }
0x26: {  	[smem:$0x3F9F] =	sst s1;
	(tag) =	ssettag s2;
	_ =	strace s9  }
0x27: {  	s1 =	sld [smem:$0x3FAF]  }
0x28: {  	s2 =	sld [smem:$0x3FB0]  }
0x29: {  	s4 =	sld [smem:$0x3FB2]  }
0x2a: {  	p0 =	seq.s32 s5, $0x0;
	s5 =	sld [smem:$0x3FB3]  }
0x2b: {  	s6 =	sld [smem:$0x3FB4]  }
0x2c: {  	s7 =	sld [smem:$0x3FB5]  }
0x2d: {  	s3 =	simm.s32 $0x108;
	s8 =	sld [smem:$0x3FB6]  }
0x2e: {  	s3 =	simm.s32 @!p0 $0x1082;
	s9 =	sld [smem:$0x3FB7]  }
0x2f: {  	lr =	sadd.s32 s0, s3;
	s0 =	sld [smem:$0x3FAE]  }
0x30: {  	s3 =	sld [smem:$0x3FB1]  }
0x31: {  	[smem:$0x3FBA] =	sst s10  }
0x32: {  	s10 =	sld [smem:$0x3FB8];
	_ =	sdelay $0x3  }
0x33: {  	p0 =	seq.s32 s10, $0x1;
	s10 =	sld [smem:$0x3FBA];
	_ =	sdelay $0x3  }
0x34: {  	[smem:$0x3FBA] =	sst s10  }
0x35: {  	s10 =	sld [smem:$0x3FB9];
	_ =	sdelay $0x3  }
0x36: {  	p1 =	seq.s32 s10, $0x1;
	s10 =	sld [smem:$0x3FBA];
	_ =	sdelay $0x3  }
0x37: {  	[smem:$0x3FBA] =	sst s10  }
0x38: {  	s10 =	sld [smem:$0x3FBB]  }
0x39: {  	_ = 	snop;
	(pc) =	sbr.ind lr, $3  }
0x3a: {  	_ = 	snop  }
0x3b: {  	_ = 	snop  }
0x3c: {  	p2 =	seq.s32 s10, $0x1;
	s10 =	sld [smem:$0x3FBA]  }
0x3d: {  	_ =	shalt  }
0x3e: {  	_ =	shalt  }
0x3f: {  	_ =	shalt  }
0x40: {  	_ =	shalt  }
0x41: {  	_ =	shalt  }
0x42: {  	_ =	shalt  }
0x43: {  	_ =	shalt  }
0x44: {  	_ =	shalt  }
0x45: {  	_ =	shalt  }
0x46: {  	_ =	shalt  }
0x47: {  	_ =	shalt  }
0x48: {  	_ =	shalt  }
0x49: {  	_ =	shalt  }
0x4a: {  	_ =	shalt  }
0x4b: {  	_ =	shalt  }
0x4c: {  	_ =	shalt  }
0x4d: {  	_ =	shalt  }
0x4e: {  	_ =	shalt  }
0x4f: {  	_ =	shalt  }
0x50: {  	_ =	shalt  }
0x51: {  	_ =	shalt  }
0x52: {  	_ =	shalt  }
0x53: {  	_ =	shalt  }
0x54: {  	_ =	shalt  }
0x55: {  	_ =	shalt  }
0x56: {  	_ =	shalt  }
0x57: {  	_ =	shalt  }
0x58: {  	_ =	shalt  }
0x59: {  	_ =	shalt  }
0x5a: {  	_ =	shalt  }
0x5b: {  	_ =	shalt  }
0x5c: {  	_ =	shalt  }
0x5d: {  	_ =	shalt  }
0x5e: {  	_ =	shalt  }
0x5f: {  	_ =	shalt  }
0x60: {  	_ =	shalt  }
0x61: {  	_ =	shalt  }
0x62: {  	_ =	shalt  }
0x63: {  	_ =	shalt  }
0x64: {  	_ =	shalt  }
0x65: {  	_ =	shalt  }
0x66: {  	_ =	shalt  }
0x67: {  	_ =	shalt  }
0x68: {  	_ =	shalt  }
0x69: {  	_ =	shalt  }
0x6a: {  	_ =	shalt  }
0x6b: {  	_ =	shalt  }
0x6c: {  	_ =	shalt  }
0x6d: {  	_ =	shalt  }
0x6e: {  	_ =	shalt  }
0x6f: {  	_ =	shalt  }
0x70: {  	_ =	shalt  }
0x71: {  	_ =	shalt  }
0x72: {  	_ =	shalt  }
0x73: {  	_ =	shalt  }
0x74: {  	_ =	shalt  }
0x75: {  	_ =	shalt  }
0x76: {  	_ =	shalt  }
0x77: {  	_ =	shalt  }
0x78: {  	_ =	shalt  }
0x79: {  	_ =	shalt  }
0x7a: {  	_ =	shalt  }
0x7b: {  	_ =	shalt  }
0x7c: {  	_ =	shalt  }
0x7d: {  	_ =	shalt  }
0x7e: {  	_ =	shalt  }
0x7f: {  	_ =	shalt  }
0x80: {  	_ =	shalt  }
0x81: {  	_ =	shalt  }
0x82: {  	_ =	shalt  }
0x83: {  	_ =	shalt  }
0x84: {  	_ =	shalt  }
0x85: {  	_ =	shalt  }
0x86: {  	_ =	shalt  }
0x87: {  	_ =	shalt  }
.Lfunc_end0:
.L_simem_size_0:
called_computation_lowered:
.L_overlay_start_0:
0x88: {  	s2 =	sld [smem:$0x3FD9]  }
0x89: {  	s3 =	sld [smem:$0x3FFE];
	_ =	sdelay $0x1  }
0x8a: {  	s1 =	srdreg.scid  }
0x8b: {  	s0 =	sand.u32 $0x1, s1  }
0x8c: {  	s14 =	sshll.u32 s0, $0xA;
	s2 =	sadd.s32 s3, s2  }
0x8d: {  	s2 =	sadd.s32 s2, s14  }
0x8e: {  	[smem:$0x3FC6] =	sst s2  }
0x8f: {  	_ = 	snop  }
0x90: {  	s2 =	sld [smem:$0x3FD0];
	_ =	sdelay $0x2  }
0x91: {  	s15 =	simm.s32 $0xA;
	s4 =	simm.s32 $0x10  }
0x92: {  	[smem:s4], [sflag:s15] =	dma.local [hbm:s2], $0x1  }
0x93: {  	_ =	swait.eq [sflag:s15], $0x1  }
0x94: {  	[sflag:s15] =	ssyncset.done $0x0  }
0x95: {  	s16 =	sld [smem:$0x10];
	[sflag:s15] =	ssyncadd.s32 $0xFFFFFFFF  }
0x96: {  	s17 =	sld [smem:$0x12];
	(tm) =	ssettm $0x1  }
0x97: {  	s18 =	sld [smem:$0x3FFB];
	_ =	sdelay $0x3  }
0x98: {  	_ =	strace s18  }
0x99: {  	s4 =	sld [smem:$0x3FFC];
	_ =	sdelay $0x3  }
0x9a: {  	_ =	strace s4  }
0x9b: {  	s4 =	sld [smem:$0x3FFD];
	_ =	sdelay $0x3  }
0x9c: {  	_ =	strace s4  }
0x9d: {  	_ =	strace $0x8FFFFFFF  }
0x9e: {  	s19 =	sld [smem:$0x3FDB];
	_ =	sdelay $0x1  }
0x9f: {  	s5 =	simm.s32 $_scs_section_size  }
0xa0: {  	s6 =	simm.s32 $_size__tile_overlayer_lowered;
	s7 =	simm.s32 $_tile_overlayer_lowered  }
0xa1: {  	s22 =	simm.s32 $0x1BFF;
	s21 =	sshll.u32 s7, $0x1;
	s4 =	sadd.s32 s5, s19  }
0xa2: {  	s8 =	simm.s32 $0x0;
	s20 =	sshll.u32 s6, $0x1;
	s6 =	sadd.s32 s21, s4  }
0xa3: {  	[timem:s8], [sflag:s22] =	dma.local [hbm:s6], s20  }
0xa4: {  	_ =	swait.ge [sflag:s22], s20  }
0xa5: {  	s5 =	ssub.s32 $0x0, s20;
	[sflag:s22] =	ssyncset.done $0x0  }
0xa6: {  	[sflag:s22] =	ssyncadd.s32 s5;
	_ =	sdelay $0x1  }
0xa7: {  	s23 =	simm.s32 $0x1B8B  }
0xa8: {  	_ =	swait.ge [sflag:s23], $0x1  }
0xa9: {  	[sflag:s23] =	ssyncset.done $0x0  }
0xaa: {  	s25 =	simm.s32 $0x1B8E;
	s24 =	sld [smem:$0x3FFE];
	[sflag:s23] =	ssyncadd.s32 $0xFFFFFFFF  }
0xab: {  	s26 =	simm.s32 $execute0_lowered;
	[smem:$0x3FD2] =	sst s25  }
0xac: {  	s6 =	sshll.u32 s26, $0x1;
	_ =	strace $0x80000046;
	[dreg:$0x1] =	wrdreg $0xFFFFFFFF  }
0xad: {  	s28 =	simm.s32 $_size_execute0_lowered;
	s4 =	sadd.s32 s4, s6;
	[dreg:$0x0] =	wrdreg $0x0  }
0xae: {  	s6 =	sshll.u32 s28, $0x1;
	[dreg:$0x2] =	wrdreg s4  }
0xaf: {  	[dreg:$0x3] =	wrdreg s6  }
0xb0: {  	[dreg:$0x4] =	wrdreg $0xC0  }
0xb1: {  	_ =	task [dreg:s8], $0x5FFFF  }
0xb2: {  	[dreg:$0x1] =	wrdreg $0xFFFFFFFF  }
0xb3: {  	[dreg:$0x0] =	wrdreg $0x60  }
0xb4: {  	[dreg:$0x2] =	wrdreg s24  }
0xb5: {  	[dreg:$0x3] =	wrdreg s17  }
0xb6: {  	[dreg:$0x4] =	wrdreg s16  }
0xb7: {  	[dreg:$0x5] =	wrdreg $0x9  }
0xb8: {  	_ =	task.clear_ibuf [dreg:s8], $0x6FFFF;
	_ =	strace $0x90000046  }
0xb9: {  	s29 =	simm.s32 $0x9;
	_ =	strace $0x80000048  }
0xba: {  	_ =	swait.ge [sflag:s29], $0x1  }
0xbb: {  	[sflag:s29] =	ssyncadd.s32 $0xFFFFFFFF  }
0xbc: {  	_ =	strace $0x90000048  }
0xbd: {  	_ =	sfence  }
0xbe: {  	s30 =	sld [smem:$0x0];
	_ =	sdelay $0x2  }
0xbf: {  	s31 =	sshll.u32 s1, $0xD;
	s1 =	sshrl.u32 s1, $0x2  }
0xc0: {  	s3 =	sand.u32 $0x4000, s31;
	s1 =	sadd.s32 s1, s30  }
0xc1: {  	s0 =	sor.u32 s3, s0;
	s1 =	sshll.u32 s1, $0x11  }
0xc2: {  	s0 =	sor.u32 s1, s0  }
0xc3: {  	s0 =	sadd.s32 $0x8F2B, s0  }
0xc4: {  	[sflag:s0] =	ssyncadd.remote.s32 $0x1  }
0xc5: {  	_ =	sfence.sel $0xFFFF  }
0xc6: {  	[dreg:$0x0] =	wrdreg $0xFFFFFFFF;
	(pc) =	sbr.abs _section_cstart, $3  }
0xc7: {  	[dreg:$0x1] =	wrdreg $0xFFFFFFFF  }
0xc8: {  	_ =	task.clear_ibuf [dreg:s8], $0x2FFFF;
	_ =	strace $0x9FFFFFFF  }
0xc9: {  	(tm) =	ssettm $0x7FFFFFFF  }
tec
execute0_lowered:
.L_overlay_start_1:
0x0: {  	(tag) =	ssettag $0x1  }
0x1: {  	s0 =	rddreg [dreg:$0x0]  }
0x2: {  	s1 =	rddreg [dreg:$0x1]  }
0x3: {  	s4 =	rddreg [dreg:$0x2]  }
0x4: {  	s2 =	srdreg.scid;
	s3 =	stileid.u32;
	s16 =	simm.s32 $0x1200  }
0x5: {  	s17 =	simm.s32 $0x1A00;
	s18 =	simm.s32 $0x2200;
	s19 =	simm.s32 $0x2A00  }
0x6: {  	s20 =	simm.s32 $0x3200;
	s21 =	simm.s32 $0x3A00;
	s28 =	simm.s32 $0x5A00  }
0x7: {  	s29 =	simm.s32 $0x6200;
	s30 =	simm.s32 $0x6A00;
	s31 =	simm.s32 $0x7200  }
0x8: {  	s8 =	simm.s32 $0x9200;
	s9 =	simm.s32 $0x9A00;
	s10 =	simm.s32 $0xA200  }
0x9: {  	s11 =	simm.s32 $0xAA00;
	s13 =	simm.s32 $0xBA00;
	s14 =	simm.s32 $0xC200  }
0xa: {  	s5 =	sand.u32 $0x1, s2;
	s2 =	simm.s32 $0x0;
	s3 =	sshll.u32 s3, $0xA  }
0xb: {  	s6 =	sshll.u32 s5, $0x9;
	[smem:$0x7FF] =	sst s2;
	s23 =	ssub.s32 $0x2, s5  }
0xc: {  	s3 =	sor.u32 s6, s3;
	_ =	strace $0x80000047;
	s5 =	sshrl.u32 s23, $0x1  }
0xd: {  	s6 =	sshrl.u32 s3, $0x3;
	s7 =	sshll.u32 s3, $0x5;
	s3 =	sadd.s32 $0x41400, s0  }
0xe: {  	s22 =	sadd.s32 s1, s6;
	s4 =	sadd.s32 s4, s7;
	s1 =	ssub.s32 s23, s5  }
0xf: {  	s6 =	simm.s32 $0x2;
	s23 =	simm.s32 $0x1;
	[dreg:$0x4] =	wrdreg s22  }
0x10: {  	s7 =	simm.s32 $0xCA00;
	s24 =	sadd.s32 $0x1000, s4;
	[dreg:$0x8] =	wrdreg s4  }
0x11: {  	s25 =	sadd.s32 $0x2000, s4;
	s26 =	sadd.s32 $0x3000, s4;
	[dreg:$0x5] =	wrdreg s24  }
0x12: {  	v2 =	vlaneseq.u32;
	s5 =	smax.u32 s1, $0x1;
	s22 =	simm.s32 $0x4200;
	[dreg:$0x6] =	wrdreg s25  }
0x13: {  	vm0 =	vmmov $0xffff;
	v1 =	vshrl.u32 v2, $0x3;
	s4 =	simm.s32 $0x7A00;
	s1 =	simm.s32 $0x8200;
	[dreg:$0x7] =	wrdreg s26  }
0x14: {  	v0 =	vand.u32 $0x7, v2;
	v2 =	vor.u32 $0x8, v2;
	v1 =	vmul.u32 $0x8, v1;
	s25 =	simm.s32 $0x4A00;
	s26 =	simm.s32 $0x5200;
	s24 =	simm.s32 $0x8A00  }
.LBB2_1:
0x15: {  	s15 =	rddreg [dreg:$0x4]  }
0x16: {  	[tilespmem:s2], [sflag:$0x2] =	stream.linear.gather [hbm4b:s15+s2], $0x200, $0x38;
	[tilespmem:$0x10200] =	vst v63  }
0x17: {  	_ =	swait.ge [sflag:s6], $0x200  }
0x18: {  	[sflag:s6] =	ssyncset.done $0x0  }
0x19: {  	[sflag:s6] =	ssyncadd.s32 $0xFFFFFE00  }
0x1a: {  	v3 =	vld [tilespmem:$0x0];
	_ =	sdelay $0x4  }
0x1b: {  	v4 =	vshll.u32 v3, $0x1  }
0x1c: {  	v3 =	vand.u32 $0x7, v3;
	v4 =	vand.u32 $0xFFFFFFF0, v4  }
0x1d: {  	v3 =	vor.u32 v3, v4  }
0x1e: {  	v4 =	vperm.xlane v3, v0;
	_ =	sdelay $0x1  }
0x1f: {  	v3 =	vperm.xlane v3, v2;
	v4 =	vadd.s32 v1, v4;
	_ =	sdelay $0x1  }
0x20: {  	v3 =	vadd.s32 v1, v3;
	_ =	sdelay $0x1  }
0x21: {  	s0 =	simm.s32 $0x200  }
0x22: {  	[tilespmem:s0], [sflag:$0x1] =	stream.indirect_vreg.gather [hbm4b:s3+s2], $0x80, v4, vm0, $0xb8;
	[tilespmem:$0x10200] =	vst v63  }
0x23: {  	s15 =	simm.s32 $0xA00  }
0x24: {  	[tilespmem:s15], [sflag:$0x1] =	stream.indirect_vreg.gather [hbm4b:s3+s2], $0x80, v3, vm0, $0xb8;
	[tilespmem:$0x10200] =	vst v63  }
0x25: {  	v3 =	vld [tilespmem:$0x10];
	_ =	sdelay $0x4  }
0x26: {  	v33 =	vshll.u32 v3, $0x1  }
0x27: {  	v3 =	vand.u32 $0x7, v3;
	v4 =	vand.u32 $0xFFFFFFF0, v33  }
0x28: {  	v3 =	vor.u32 v3, v4  }
0x29: {  	v4 =	vperm.xlane v3, v0;
	_ =	sdelay $0x1  }
0x2a: {  	v3 =	vperm.xlane v3, v2;
	v4 =	vadd.s32 v1, v4;
	_ =	sdelay $0x1  }
0x2b: {  	v3 =	vadd.s32 v1, v3;
	_ =	sdelay $0x2  }
0x2c: {  	[tilespmem:s16], [sflag:$0x1] =	stream.indirect_vreg.gather [hbm4b:s3+s2], $0x80, v4, vm0, $0xb8;
	[tilespmem:$0x10200] =	vst v63  }
0x2d: {  	_ = 	snop  }
0x2e: {  	[tilespmem:s17], [sflag:$0x1] =	stream.indirect_vreg.gather [hbm4b:s3+s2], $0x80, v3, vm0, $0xb8;
	[tilespmem:$0x10200] =	vst v63  }
0x2f: {  	v3 =	vld [tilespmem:$0x20];
	_ =	sdelay $0x4  }
0x30: {  	v34 =	vshll.u32 v3, $0x1  }
0x31: {  	v3 =	vand.u32 $0x7, v3;
	v4 =	vand.u32 $0xFFFFFFF0, v34  }
0x32: {  	v3 =	vor.u32 v3, v4  }
0x33: {  	v4 =	vperm.xlane v3, v0;
	_ =	sdelay $0x1  }
0x34: {  	v3 =	vperm.xlane v3, v2;
	v4 =	vadd.s32 v1, v4;
	_ =	sdelay $0x1  }
0x35: {  	v3 =	vadd.s32 v1, v3;
	_ =	sdelay $0x2  }
0x36: {  	[tilespmem:s18], [sflag:$0x1] =	stream.indirect_vreg.gather [hbm4b:s3+s2], $0x80, v4, vm0, $0xb8;
	[tilespmem:$0x10200] =	vst v63  }
0x37: {  	_ = 	snop  }
0x38: {  	[tilespmem:s19], [sflag:$0x1] =	stream.indirect_vreg.gather [hbm4b:s3+s2], $0x80, v3, vm0, $0xb8;
	[tilespmem:$0x10200] =	vst v63  }
0x39: {  	v3 =	vld [tilespmem:$0x30];
	_ =	sdelay $0x4  }
0x3a: {  	v35 =	vshll.u32 v3, $0x1  }
0x3b: {  	v3 =	vand.u32 $0x7, v3;
	v4 =	vand.u32 $0xFFFFFFF0, v35  }
0x3c: {  	v3 =	vor.u32 v3, v4  }
0x3d: {  	v4 =	vperm.xlane v3, v0;
	_ =	sdelay $0x1  }
0x3e: {  	v3 =	vperm.xlane v3, v2;
	v4 =	vadd.s32 v1, v4;
	_ =	sdelay $0x1  }
0x3f: {  	v3 =	vadd.s32 v1, v3;
	_ =	sdelay $0x2  }
0x40: {  	[tilespmem:s20], [sflag:$0x1] =	stream.indirect_vreg.gather [hbm4b:s3+s2], $0x80, v4, vm0, $0xb8;
	[tilespmem:$0x10200] =	vst v63  }
0x41: {  	_ = 	snop  }
0x42: {  	[tilespmem:s21], [sflag:$0x1] =	stream.indirect_vreg.gather [hbm4b:s3+s2], $0x80, v3, vm0, $0xb8;
	[tilespmem:$0x10200] =	vst v63  }
0x43: {  	v3 =	vld [tilespmem:$0x40];
	_ =	sdelay $0x4  }
0x44: {  	v36 =	vshll.u32 v3, $0x1  }
0x45: {  	v3 =	vand.u32 $0x7, v3;
	v4 =	vand.u32 $0xFFFFFFF0, v36  }
0x46: {  	v3 =	vor.u32 v3, v4  }
0x47: {  	v4 =	vperm.xlane v3, v0;
	_ =	sdelay $0x1  }
0x48: {  	v3 =	vperm.xlane v3, v2;
	v4 =	vadd.s32 v1, v4;
	_ =	sdelay $0x1  }
0x49: {  	v3 =	vadd.s32 v1, v3;
	_ =	sdelay $0x2  }
0x4a: {  	[tilespmem:s22], [sflag:$0x1] =	stream.indirect_vreg.gather [hbm4b:s3+s2], $0x80, v4, vm0, $0xb8;
	[tilespmem:$0x10200] =	vst v63  }
0x4b: {  	_ = 	snop  }
0x4c: {  	[tilespmem:s25], [sflag:$0x1] =	stream.indirect_vreg.gather [hbm4b:s3+s2], $0x80, v3, vm0, $0xb8;
	[tilespmem:$0x10200] =	vst v63  }
0x4d: {  	v3 =	vld [tilespmem:$0x50];
	_ =	sdelay $0x4  }
0x4e: {  	v37 =	vshll.u32 v3, $0x1  }
0x4f: {  	v3 =	vand.u32 $0x7, v3;
	v4 =	vand.u32 $0xFFFFFFF0, v37  }
0x50: {  	v3 =	vor.u32 v3, v4  }
0x51: {  	v4 =	vperm.xlane v3, v0;
	_ =	sdelay $0x1  }
0x52: {  	v3 =	vperm.xlane v3, v2;
	v4 =	vadd.s32 v1, v4;
	_ =	sdelay $0x1  }
0x53: {  	v3 =	vadd.s32 v1, v3;
	_ =	sdelay $0x2  }
0x54: {  	[tilespmem:s26], [sflag:$0x1] =	stream.indirect_vreg.gather [hbm4b:s3+s2], $0x80, v4, vm0, $0xb8;
	[tilespmem:$0x10200] =	vst v63  }
0x55: {  	_ = 	snop  }
0x56: {  	[tilespmem:s28], [sflag:$0x1] =	stream.indirect_vreg.gather [hbm4b:s3+s2], $0x80, v3, vm0, $0xb8;
	[tilespmem:$0x10200] =	vst v63  }
0x57: {  	v3 =	vld [tilespmem:$0x60];
	_ =	sdelay $0x4  }
0x58: {  	v38 =	vshll.u32 v3, $0x1  }
0x59: {  	v3 =	vand.u32 $0x7, v3;
	v4 =	vand.u32 $0xFFFFFFF0, v38  }
0x5a: {  	v3 =	vor.u32 v3, v4  }
0x5b: {  	v4 =	vperm.xlane v3, v0;
	_ =	sdelay $0x1  }
0x5c: {  	v3 =	vperm.xlane v3, v2;
	v4 =	vadd.s32 v1, v4;
	_ =	sdelay $0x1  }
0x5d: {  	v3 =	vadd.s32 v1, v3;
	_ =	sdelay $0x2  }
0x5e: {  	[tilespmem:s29], [sflag:$0x1] =	stream.indirect_vreg.gather [hbm4b:s3+s2], $0x80, v4, vm0, $0xb8;
	[tilespmem:$0x10200] =	vst v63  }
0x5f: {  	_ = 	snop  }
0x60: {  	[tilespmem:s30], [sflag:$0x1] =	stream.indirect_vreg.gather [hbm4b:s3+s2], $0x80, v3, vm0, $0xb8;
	[tilespmem:$0x10200] =	vst v63  }
0x61: {  	v3 =	vld [tilespmem:$0x70];
	_ =	sdelay $0x4  }
0x62: {  	v39 =	vshll.u32 v3, $0x1  }
0x63: {  	v3 =	vand.u32 $0x7, v3;
	v4 =	vand.u32 $0xFFFFFFF0, v39  }
0x64: {  	v3 =	vor.u32 v3, v4  }
0x65: {  	v4 =	vperm.xlane v3, v0;
	_ =	sdelay $0x1  }
0x66: {  	v3 =	vperm.xlane v3, v2;
	v4 =	vadd.s32 v1, v4;
	_ =	sdelay $0x1  }
0x67: {  	v3 =	vadd.s32 v1, v3;
	_ =	sdelay $0x2  }
0x68: {  	[tilespmem:s31], [sflag:$0x1] =	stream.indirect_vreg.gather [hbm4b:s3+s2], $0x80, v4, vm0, $0xb8;
	[tilespmem:$0x10200] =	vst v63  }
0x69: {  	_ = 	snop  }
0x6a: {  	[tilespmem:s4], [sflag:$0x1] =	stream.indirect_vreg.gather [hbm4b:s3+s2], $0x80, v3, vm0, $0xb8;
	[tilespmem:$0x10200] =	vst v63  }
0x6b: {  	_ =	swait.ge [sflag:s23], $0x8000  }
0x6c: {  	[sflag:s23] =	ssyncset.done $0x0  }
0x6d: {  	[sflag:s23] =	ssyncadd.s32 $0xFFFF8000  }
0x6e: {  	v3 =	vld [tilespmem:$0x80];
	_ =	sdelay $0x4  }
0x6f: {  	v40 =	vshll.u32 v3, $0x1  }
0x70: {  	v3 =	vand.u32 $0x7, v3;
	v4 =	vand.u32 $0xFFFFFFF0, v40  }
0x71: {  	v3 =	vor.u32 v3, v4  }
0x72: {  	v4 =	vperm.xlane v3, v0;
	_ =	sdelay $0x1  }
0x73: {  	v3 =	vperm.xlane v3, v2;
	v4 =	vadd.s32 v1, v4;
	_ =	sdelay $0x1  }
0x74: {  	v3 =	vadd.s32 v1, v3;
	_ =	sdelay $0x2  }
0x75: {  	[tilespmem:s1], [sflag:$0x1] =	stream.indirect_vreg.gather [hbm4b:s3+s2], $0x80, v4, vm0, $0xb8;
	[tilespmem:$0x10200] =	vst v63  }
0x76: {  	_ = 	snop  }
0x77: {  	[tilespmem:s24], [sflag:$0x1] =	stream.indirect_vreg.gather [hbm4b:s3+s2], $0x80, v3, vm0, $0xb8;
	[tilespmem:$0x10200] =	vst v63  }
0x78: {  	v3 =	vld [tilespmem:$0x90];
	_ =	sdelay $0x4  }
0x79: {  	v41 =	vshll.u32 v3, $0x1  }
0x7a: {  	v3 =	vand.u32 $0x7, v3;
	v4 =	vand.u32 $0xFFFFFFF0, v41  }
0x7b: {  	v3 =	vor.u32 v3, v4  }
0x7c: {  	v4 =	vperm.xlane v3, v0;
	_ =	sdelay $0x1  }
0x7d: {  	v3 =	vperm.xlane v3, v2;
	v4 =	vadd.s32 v1, v4;
	_ =	sdelay $0x1  }
0x7e: {  	v3 =	vadd.s32 v1, v3;
	_ =	sdelay $0x2  }
0x7f: {  	[tilespmem:s8], [sflag:$0x1] =	stream.indirect_vreg.gather [hbm4b:s3+s2], $0x80, v4, vm0, $0xb8;
	[tilespmem:$0x10200] =	vst v63  }
0x80: {  	_ = 	snop  }
0x81: {  	[tilespmem:s9], [sflag:$0x1] =	stream.indirect_vreg.gather [hbm4b:s3+s2], $0x80, v3, vm0, $0xb8;
	[tilespmem:$0x10200] =	vst v63  }
0x82: {  	v3 =	vld [tilespmem:$0xA0];
	_ =	sdelay $0x4  }
0x83: {  	v42 =	vshll.u32 v3, $0x1  }
0x84: {  	v3 =	vand.u32 $0x7, v3;
	v4 =	vand.u32 $0xFFFFFFF0, v42  }
0x85: {  	v3 =	vor.u32 v3, v4  }
0x86: {  	v4 =	vperm.xlane v3, v0;
	_ =	sdelay $0x1  }
0x87: {  	v3 =	vperm.xlane v3, v2;
	v4 =	vadd.s32 v1, v4;
	_ =	sdelay $0x1  }
0x88: {  	v3 =	vadd.s32 v1, v3;
	_ =	sdelay $0x2  }
0x89: {  	[tilespmem:s10], [sflag:$0x1] =	stream.indirect_vreg.gather [hbm4b:s3+s2], $0x80, v4, vm0, $0xb8;
	[tilespmem:$0x10200] =	vst v63  }
0x8a: {  	_ = 	snop  }
0x8b: {  	[tilespmem:s11], [sflag:$0x1] =	stream.indirect_vreg.gather [hbm4b:s3+s2], $0x80, v3, vm0, $0xb8;
	[tilespmem:$0x10200] =	vst v63  }
0x8c: {  	v3 =	vld [tilespmem:$0xB0];
	_ =	sdelay $0x4  }
0x8d: {  	v43 =	vshll.u32 v3, $0x1  }
0x8e: {  	v3 =	vand.u32 $0x7, v3;
	v4 =	vand.u32 $0xFFFFFFF0, v43  }
0x8f: {  	v3 =	vor.u32 v3, v4  }
0x90: {  	v4 =	vperm.xlane v3, v0;
	_ =	sdelay $0x1  }
0x91: {  	v3 =	vperm.xlane v3, v2;
	v4 =	vadd.s32 v1, v4;
	_ =	sdelay $0x1  }
0x92: {  	v3 =	vadd.s32 v1, v3;
	_ =	sdelay $0x1  }
0x93: {  	s12 =	simm.s32 $0xB200  }
0x94: {  	[tilespmem:s12], [sflag:$0x1] =	stream.indirect_vreg.gather [hbm4b:s3+s2], $0x80, v4, vm0, $0xb8;
	[tilespmem:$0x10200] =	vst v63  }
0x95: {  	_ = 	snop  }
0x96: {  	[tilespmem:s13], [sflag:$0x1] =	stream.indirect_vreg.gather [hbm4b:s3+s2], $0x80, v3, vm0, $0xb8;
	[tilespmem:$0x10200] =	vst v63  }
0x97: {  	v3 =	vld [tilespmem:$0xC0];
	_ =	sdelay $0x4  }
0x98: {  	v44 =	vshll.u32 v3, $0x1  }
0x99: {  	v3 =	vand.u32 $0x7, v3;
	v4 =	vand.u32 $0xFFFFFFF0, v44  }
0x9a: {  	v3 =	vor.u32 v3, v4  }
0x9b: {  	v4 =	vperm.xlane v3, v0;
	_ =	sdelay $0x1  }
0x9c: {  	v3 =	vperm.xlane v3, v2;
	v4 =	vadd.s32 v1, v4;
	_ =	sdelay $0x1  }
0x9d: {  	v3 =	vadd.s32 v1, v3;
	_ =	sdelay $0x2  }
0x9e: {  	[tilespmem:s14], [sflag:$0x1] =	stream.indirect_vreg.gather [hbm4b:s3+s2], $0x80, v4, vm0, $0xb8;
	[tilespmem:$0x10200] =	vst v63  }
0x9f: {  	_ = 	snop  }
0xa0: {  	[tilespmem:s7], [sflag:$0x1] =	stream.indirect_vreg.gather [hbm4b:s3+s2], $0x80, v3, vm0, $0xb8;
	[tilespmem:$0x10200] =	vst v63  }
0xa1: {  	v3 =	vld [tilespmem:$0xD0];
	_ =	sdelay $0x4  }
0xa2: {  	v45 =	vshll.u32 v3, $0x1  }
0xa3: {  	v3 =	vand.u32 $0x7, v3;
	v4 =	vand.u32 $0xFFFFFFF0, v45  }
0xa4: {  	v3 =	vor.u32 v3, v4  }
0xa5: {  	v4 =	vperm.xlane v3, v0;
	_ =	sdelay $0x1  }
0xa6: {  	v3 =	vperm.xlane v3, v2;
	v4 =	vadd.s32 v1, v4;
	_ =	sdelay $0x1  }
0xa7: {  	v3 =	vadd.s32 v1, v3;
	_ =	sdelay $0x1  }
0xa8: {  	s12 =	simm.s32 $0xD200  }
0xa9: {  	[tilespmem:s12], [sflag:$0x1] =	stream.indirect_vreg.gather [hbm4b:s3+s2], $0x80, v4, vm0, $0xb8;
	[tilespmem:$0x10200] =	vst v63  }
0xaa: {  	s12 =	simm.s32 $0xDA00  }
0xab: {  	[tilespmem:s12], [sflag:$0x1] =	stream.indirect_vreg.gather [hbm4b:s3+s2], $0x80, v3, vm0, $0xb8;
	[tilespmem:$0x10200] =	vst v63  }
0xac: {  	v3 =	vld [tilespmem:$0xE0];
	_ =	sdelay $0x4  }
0xad: {  	v46 =	vshll.u32 v3, $0x1  }
0xae: {  	v3 =	vand.u32 $0x7, v3;
	v4 =	vand.u32 $0xFFFFFFF0, v46  }
0xaf: {  	v3 =	vor.u32 v3, v4  }
0xb0: {  	v4 =	vperm.xlane v3, v0;
	_ =	sdelay $0x1  }
0xb1: {  	v3 =	vperm.xlane v3, v2;
	v4 =	vadd.s32 v1, v4;
	_ =	sdelay $0x1  }
0xb2: {  	v3 =	vadd.s32 v1, v3;
	_ =	sdelay $0x1  }
0xb3: {  	s12 =	simm.s32 $0xE200  }
0xb4: {  	[tilespmem:s12], [sflag:$0x1] =	stream.indirect_vreg.gather [hbm4b:s3+s2], $0x80, v4, vm0, $0xb8;
	[tilespmem:$0x10200] =	vst v63  }
0xb5: {  	s12 =	simm.s32 $0xEA00  }
0xb6: {  	[tilespmem:s12], [sflag:$0x1] =	stream.indirect_vreg.gather [hbm4b:s3+s2], $0x80, v3, vm0, $0xb8;
	[tilespmem:$0x10200] =	vst v63  }
0xb7: {  	v3 =	vld [tilespmem:$0xF0];
	_ =	sdelay $0x4  }
0xb8: {  	v47 =	vshll.u32 v3, $0x1  }
0xb9: {  	v3 =	vand.u32 $0x7, v3;
	v4 =	vand.u32 $0xFFFFFFF0, v47  }
0xba: {  	v3 =	vor.u32 v3, v4  }
0xbb: {  	v4 =	vperm.xlane v3, v0;
	_ =	sdelay $0x1  }
0xbc: {  	v3 =	vperm.xlane v3, v2;
	v4 =	vadd.s32 v1, v4;
	_ =	sdelay $0x1  }
0xbd: {  	v3 =	vadd.s32 v1, v3;
	_ =	sdelay $0x1  }
0xbe: {  	s12 =	simm.s32 $0xF200  }
0xbf: {  	[tilespmem:s12], [sflag:$0x1] =	stream.indirect_vreg.gather [hbm4b:s3+s2], $0x80, v4, vm0, $0xb8;
	[tilespmem:$0x10200] =	vst v63  }
0xc0: {  	s12 =	simm.s32 $0xFA00  }
0xc1: {  	[tilespmem:s12], [sflag:$0x1] =	stream.indirect_vreg.gather [hbm4b:s3+s2], $0x80, v3, vm0, $0xb8;
	[tilespmem:$0x10200] =	vst v63  }
0xc2: {  	s0 =	simm.s32 $0x200;
	s12 =	rddreg [dreg:$0x8]  }
0xc3: {  	[hbm4b:s12+s2] =	stream.linear.scatter [tilespmem:s0], [sflag:$0x2], $0x8000, $0x38;
	[tilespmem:$0x10200] =	vst v63  }
0xc4: {  	_ =	swait.ge [sflag:s6], $0x8000  }
0xc5: {  	[sflag:s6] =	ssyncset.done $0x0  }
0xc6: {  	[sflag:s6] =	ssyncadd.s32 $0xFFFF8000  }
0xc7: {  	_ =	swait.ge [sflag:s23], $0x8000  }
0xc8: {  	[sflag:s23] =	ssyncset.done $0x0  }
0xc9: {  	[sflag:s23] =	ssyncadd.s32 $0xFFFF8000  }
0xca: {  	v3 =	vld [tilespmem:$0x100];
	_ =	sdelay $0x4  }
0xcb: {  	v48 =	vshll.u32 v3, $0x1  }
0xcc: {  	v3 =	vand.u32 $0x7, v3;
	v4 =	vand.u32 $0xFFFFFFF0, v48  }
0xcd: {  	v3 =	vor.u32 v3, v4  }
0xce: {  	v4 =	vperm.xlane v3, v0;
	_ =	sdelay $0x1  }
0xcf: {  	v3 =	vperm.xlane v3, v2;
	v4 =	vadd.s32 v1, v4;
	_ =	sdelay $0x1  }
0xd0: {  	v3 =	vadd.s32 v1, v3;
	_ =	sdelay $0x2  }
0xd1: {  	[tilespmem:s0], [sflag:$0x1] =	stream.indirect_vreg.gather [hbm4b:s3+s2], $0x80, v4, vm0, $0xb8;
	[tilespmem:$0x10200] =	vst v63  }
0xd2: {  	_ = 	snop  }
0xd3: {  	[tilespmem:s15], [sflag:$0x1] =	stream.indirect_vreg.gather [hbm4b:s3+s2], $0x80, v3, vm0, $0xb8;
	[tilespmem:$0x10200] =	vst v63  }
0xd4: {  	v3 =	vld [tilespmem:$0x110];
	_ =	sdelay $0x4  }
0xd5: {  	v49 =	vshll.u32 v3, $0x1  }
0xd6: {  	v3 =	vand.u32 $0x7, v3;
	v4 =	vand.u32 $0xFFFFFFF0, v49  }
0xd7: {  	v3 =	vor.u32 v3, v4  }
0xd8: {  	v4 =	vperm.xlane v3, v0;
	_ =	sdelay $0x1  }
0xd9: {  	v3 =	vperm.xlane v3, v2;
	v4 =	vadd.s32 v1, v4;
	_ =	sdelay $0x1  }
0xda: {  	v3 =	vadd.s32 v1, v3;
	_ =	sdelay $0x2  }
0xdb: {  	[tilespmem:s16], [sflag:$0x1] =	stream.indirect_vreg.gather [hbm4b:s3+s2], $0x80, v4, vm0, $0xb8;
	[tilespmem:$0x10200] =	vst v63  }
0xdc: {  	_ = 	snop  }
0xdd: {  	[tilespmem:s17], [sflag:$0x1] =	stream.indirect_vreg.gather [hbm4b:s3+s2], $0x80, v3, vm0, $0xb8;
	[tilespmem:$0x10200] =	vst v63  }
0xde: {  	v3 =	vld [tilespmem:$0x120];
	_ =	sdelay $0x4  }
0xdf: {  	v50 =	vshll.u32 v3, $0x1  }
0xe0: {  	v3 =	vand.u32 $0x7, v3;
	v4 =	vand.u32 $0xFFFFFFF0, v50  }
0xe1: {  	v3 =	vor.u32 v3, v4  }
0xe2: {  	v4 =	vperm.xlane v3, v0;
	_ =	sdelay $0x1  }
0xe3: {  	v3 =	vperm.xlane v3, v2;
	v4 =	vadd.s32 v1, v4;
	_ =	sdelay $0x1  }
0xe4: {  	v3 =	vadd.s32 v1, v3;
	_ =	sdelay $0x2  }
0xe5: {  	[tilespmem:s18], [sflag:$0x1] =	stream.indirect_vreg.gather [hbm4b:s3+s2], $0x80, v4, vm0, $0xb8;
	[tilespmem:$0x10200] =	vst v63  }
0xe6: {  	_ = 	snop  }
0xe7: {  	[tilespmem:s19], [sflag:$0x1] =	stream.indirect_vreg.gather [hbm4b:s3+s2], $0x80, v3, vm0, $0xb8;
	[tilespmem:$0x10200] =	vst v63  }
0xe8: {  	v3 =	vld [tilespmem:$0x130];
	_ =	sdelay $0x4  }
0xe9: {  	v51 =	vshll.u32 v3, $0x1  }
0xea: {  	v3 =	vand.u32 $0x7, v3;
	v4 =	vand.u32 $0xFFFFFFF0, v51  }
0xeb: {  	v3 =	vor.u32 v3, v4  }
0xec: {  	v4 =	vperm.xlane v3, v0;
	_ =	sdelay $0x1  }
0xed: {  	v3 =	vperm.xlane v3, v2;
	v4 =	vadd.s32 v1, v4;
	_ =	sdelay $0x1  }
0xee: {  	v3 =	vadd.s32 v1, v3;
	_ =	sdelay $0x2  }
0xef: {  	[tilespmem:s20], [sflag:$0x1] =	stream.indirect_vreg.gather [hbm4b:s3+s2], $0x80, v4, vm0, $0xb8;
	[tilespmem:$0x10200] =	vst v63  }
0xf0: {  	_ = 	snop  }
0xf1: {  	[tilespmem:s21], [sflag:$0x1] =	stream.indirect_vreg.gather [hbm4b:s3+s2], $0x80, v3, vm0, $0xb8;
	[tilespmem:$0x10200] =	vst v63  }
0xf2: {  	v3 =	vld [tilespmem:$0x140];
	_ =	sdelay $0x4  }
0xf3: {  	v52 =	vshll.u32 v3, $0x1  }
0xf4: {  	v3 =	vand.u32 $0x7, v3;
	v4 =	vand.u32 $0xFFFFFFF0, v52  }
0xf5: {  	v3 =	vor.u32 v3, v4  }
0xf6: {  	v4 =	vperm.xlane v3, v0;
	_ =	sdelay $0x1  }
0xf7: {  	v3 =	vperm.xlane v3, v2;
	v4 =	vadd.s32 v1, v4;
	_ =	sdelay $0x1  }
0xf8: {  	v3 =	vadd.s32 v1, v3;
	_ =	sdelay $0x2  }
0xf9: {  	[tilespmem:s22], [sflag:$0x1] =	stream.indirect_vreg.gather [hbm4b:s3+s2], $0x80, v4, vm0, $0xb8;
	[tilespmem:$0x10200] =	vst v63  }
0xfa: {  	_ = 	snop  }
0xfb: {  	[tilespmem:s25], [sflag:$0x1] =	stream.indirect_vreg.gather [hbm4b:s3+s2], $0x80, v3, vm0, $0xb8;
	[tilespmem:$0x10200] =	vst v63  }
0xfc: {  	v3 =	vld [tilespmem:$0x150];
	_ =	sdelay $0x4  }
0xfd: {  	v53 =	vshll.u32 v3, $0x1  }
0xfe: {  	v3 =	vand.u32 $0x7, v3;
	v4 =	vand.u32 $0xFFFFFFF0, v53  }
0xff: {  	v3 =	vor.u32 v3, v4  }
0x100: {  	v4 =	vperm.xlane v3, v0;
	_ =	sdelay $0x1  }
0x101: {  	v3 =	vperm.xlane v3, v2;
	v4 =	vadd.s32 v1, v4;
	_ =	sdelay $0x1  }
0x102: {  	v3 =	vadd.s32 v1, v3;
	_ =	sdelay $0x2  }
0x103: {  	[tilespmem:s26], [sflag:$0x1] =	stream.indirect_vreg.gather [hbm4b:s3+s2], $0x80, v4, vm0, $0xb8;
	[tilespmem:$0x10200] =	vst v63  }
0x104: {  	_ = 	snop  }
0x105: {  	[tilespmem:s28], [sflag:$0x1] =	stream.indirect_vreg.gather [hbm4b:s3+s2], $0x80, v3, vm0, $0xb8;
	[tilespmem:$0x10200] =	vst v63  }
0x106: {  	v3 =	vld [tilespmem:$0x160];
	_ =	sdelay $0x4  }
0x107: {  	v54 =	vshll.u32 v3, $0x1  }
0x108: {  	v3 =	vand.u32 $0x7, v3;
	v4 =	vand.u32 $0xFFFFFFF0, v54  }
0x109: {  	v3 =	vor.u32 v3, v4  }
0x10a: {  	v4 =	vperm.xlane v3, v0;
	_ =	sdelay $0x1  }
0x10b: {  	v3 =	vperm.xlane v3, v2;
	v4 =	vadd.s32 v1, v4;
	_ =	sdelay $0x1  }
0x10c: {  	v3 =	vadd.s32 v1, v3;
	_ =	sdelay $0x2  }
0x10d: {  	[tilespmem:s29], [sflag:$0x1] =	stream.indirect_vreg.gather [hbm4b:s3+s2], $0x80, v4, vm0, $0xb8;
	[tilespmem:$0x10200] =	vst v63  }
0x10e: {  	_ = 	snop  }
0x10f: {  	[tilespmem:s30], [sflag:$0x1] =	stream.indirect_vreg.gather [hbm4b:s3+s2], $0x80, v3, vm0, $0xb8;
	[tilespmem:$0x10200] =	vst v63  }
0x110: {  	v3 =	vld [tilespmem:$0x170];
	_ =	sdelay $0x4  }
0x111: {  	v55 =	vshll.u32 v3, $0x1  }
0x112: {  	v3 =	vand.u32 $0x7, v3;
	v4 =	vand.u32 $0xFFFFFFF0, v55  }
0x113: {  	v3 =	vor.u32 v3, v4  }
0x114: {  	v4 =	vperm.xlane v3, v0;
	_ =	sdelay $0x1  }
0x115: {  	v3 =	vperm.xlane v3, v2;
	v4 =	vadd.s32 v1, v4;
	_ =	sdelay $0x1  }
0x116: {  	v3 =	vadd.s32 v1, v3;
	_ =	sdelay $0x2  }
0x117: {  	[tilespmem:s31], [sflag:$0x1] =	stream.indirect_vreg.gather [hbm4b:s3+s2], $0x80, v4, vm0, $0xb8;
	[tilespmem:$0x10200] =	vst v63  }
0x118: {  	_ = 	snop  }
0x119: {  	[tilespmem:s4], [sflag:$0x1] =	stream.indirect_vreg.gather [hbm4b:s3+s2], $0x80, v3, vm0, $0xb8;
	[tilespmem:$0x10200] =	vst v63  }
0x11a: {  	s0 =	rddreg [dreg:$0x5]  }
0x11b: {  	[hbm4b:s0+s2] =	stream.linear.scatter [tilespmem:s1], [sflag:$0x2], $0x8000, $0x38;
	[tilespmem:$0x10200] =	vst v63  }
0x11c: {  	_ =	swait.ge [sflag:s6], $0x8000  }
0x11d: {  	[sflag:s6] =	ssyncset.done $0x0  }
0x11e: {  	[sflag:s6] =	ssyncadd.s32 $0xFFFF8000  }
0x11f: {  	_ =	swait.ge [sflag:s23], $0x8000  }
0x120: {  	[sflag:s23] =	ssyncset.done $0x0  }
0x121: {  	[sflag:s23] =	ssyncadd.s32 $0xFFFF8000  }
0x122: {  	v3 =	vld [tilespmem:$0x180];
	_ =	sdelay $0x4  }
0x123: {  	v56 =	vshll.u32 v3, $0x1  }
0x124: {  	v3 =	vand.u32 $0x7, v3;
	v4 =	vand.u32 $0xFFFFFFF0, v56  }
0x125: {  	v3 =	vor.u32 v3, v4  }
0x126: {  	v4 =	vperm.xlane v3, v0;
	_ =	sdelay $0x1  }
0x127: {  	v3 =	vperm.xlane v3, v2;
	v4 =	vadd.s32 v1, v4;
	_ =	sdelay $0x1  }
0x128: {  	v3 =	vadd.s32 v1, v3;
	_ =	sdelay $0x2  }
0x129: {  	[tilespmem:s1], [sflag:$0x1] =	stream.indirect_vreg.gather [hbm4b:s3+s2], $0x80, v4, vm0, $0xb8;
	[tilespmem:$0x10200] =	vst v63  }
0x12a: {  	_ = 	snop  }
0x12b: {  	[tilespmem:s24], [sflag:$0x1] =	stream.indirect_vreg.gather [hbm4b:s3+s2], $0x80, v3, vm0, $0xb8;
	[tilespmem:$0x10200] =	vst v63  }
0x12c: {  	v3 =	vld [tilespmem:$0x190];
	_ =	sdelay $0x4  }
0x12d: {  	v57 =	vshll.u32 v3, $0x1  }
0x12e: {  	v3 =	vand.u32 $0x7, v3;
	v4 =	vand.u32 $0xFFFFFFF0, v57  }
0x12f: {  	v3 =	vor.u32 v3, v4  }
0x130: {  	v4 =	vperm.xlane v3, v0;
	_ =	sdelay $0x1  }
0x131: {  	v3 =	vperm.xlane v3, v2;
	v4 =	vadd.s32 v1, v4;
	_ =	sdelay $0x1  }
0x132: {  	v3 =	vadd.s32 v1, v3;
	_ =	sdelay $0x2  }
0x133: {  	[tilespmem:s8], [sflag:$0x1] =	stream.indirect_vreg.gather [hbm4b:s3+s2], $0x80, v4, vm0, $0xb8;
	[tilespmem:$0x10200] =	vst v63  }
0x134: {  	_ = 	snop  }
0x135: {  	[tilespmem:s9], [sflag:$0x1] =	stream.indirect_vreg.gather [hbm4b:s3+s2], $0x80, v3, vm0, $0xb8;
	[tilespmem:$0x10200] =	vst v63  }
0x136: {  	v3 =	vld [tilespmem:$0x1A0];
	_ =	sdelay $0x4  }
0x137: {  	v58 =	vshll.u32 v3, $0x1  }
0x138: {  	v3 =	vand.u32 $0x7, v3;
	v4 =	vand.u32 $0xFFFFFFF0, v58  }
0x139: {  	v3 =	vor.u32 v3, v4  }
0x13a: {  	v4 =	vperm.xlane v3, v0;
	_ =	sdelay $0x1  }
0x13b: {  	v3 =	vperm.xlane v3, v2;
	v4 =	vadd.s32 v1, v4;
	_ =	sdelay $0x1  }
0x13c: {  	v3 =	vadd.s32 v1, v3;
	_ =	sdelay $0x2  }
0x13d: {  	[tilespmem:s10], [sflag:$0x1] =	stream.indirect_vreg.gather [hbm4b:s3+s2], $0x80, v4, vm0, $0xb8;
	[tilespmem:$0x10200] =	vst v63  }
0x13e: {  	_ = 	snop  }
0x13f: {  	[tilespmem:s11], [sflag:$0x1] =	stream.indirect_vreg.gather [hbm4b:s3+s2], $0x80, v3, vm0, $0xb8;
	[tilespmem:$0x10200] =	vst v63  }
0x140: {  	v3 =	vld [tilespmem:$0x1B0];
	_ =	sdelay $0x4  }
0x141: {  	v59 =	vshll.u32 v3, $0x1  }
0x142: {  	v3 =	vand.u32 $0x7, v3;
	v4 =	vand.u32 $0xFFFFFFF0, v59  }
0x143: {  	v3 =	vor.u32 v3, v4  }
0x144: {  	v4 =	vperm.xlane v3, v0;
	_ =	sdelay $0x1  }
0x145: {  	v3 =	vperm.xlane v3, v2;
	v4 =	vadd.s32 v1, v4;
	_ =	sdelay $0x1  }
0x146: {  	v3 =	vadd.s32 v1, v3;
	_ =	sdelay $0x1  }
0x147: {  	s15 =	simm.s32 $0xB200  }
0x148: {  	[tilespmem:s15], [sflag:$0x1] =	stream.indirect_vreg.gather [hbm4b:s3+s2], $0x80, v4, vm0, $0xb8;
	[tilespmem:$0x10200] =	vst v63  }
0x149: {  	_ = 	snop  }
0x14a: {  	[tilespmem:s13], [sflag:$0x1] =	stream.indirect_vreg.gather [hbm4b:s3+s2], $0x80, v3, vm0, $0xb8;
	[tilespmem:$0x10200] =	vst v63  }
0x14b: {  	v3 =	vld [tilespmem:$0x1C0];
	_ =	sdelay $0x4  }
0x14c: {  	v60 =	vshll.u32 v3, $0x1  }
0x14d: {  	v3 =	vand.u32 $0x7, v3;
	v4 =	vand.u32 $0xFFFFFFF0, v60  }
0x14e: {  	v3 =	vor.u32 v3, v4  }
0x14f: {  	v4 =	vperm.xlane v3, v0;
	_ =	sdelay $0x1  }
0x150: {  	v3 =	vperm.xlane v3, v2;
	v4 =	vadd.s32 v1, v4;
	_ =	sdelay $0x1  }
0x151: {  	v3 =	vadd.s32 v1, v3;
	_ =	sdelay $0x2  }
0x152: {  	[tilespmem:s14], [sflag:$0x1] =	stream.indirect_vreg.gather [hbm4b:s3+s2], $0x80, v4, vm0, $0xb8;
	[tilespmem:$0x10200] =	vst v63  }
0x153: {  	_ = 	snop  }
0x154: {  	[tilespmem:s7], [sflag:$0x1] =	stream.indirect_vreg.gather [hbm4b:s3+s2], $0x80, v3, vm0, $0xb8;
	[tilespmem:$0x10200] =	vst v63  }
0x155: {  	v3 =	vld [tilespmem:$0x1D0];
	_ =	sdelay $0x4  }
0x156: {  	v61 =	vshll.u32 v3, $0x1  }
0x157: {  	v3 =	vand.u32 $0x7, v3;
	v4 =	vand.u32 $0xFFFFFFF0, v61  }
0x158: {  	v3 =	vor.u32 v3, v4  }
0x159: {  	v4 =	vperm.xlane v3, v0;
	_ =	sdelay $0x1  }
0x15a: {  	v3 =	vperm.xlane v3, v2;
	v4 =	vadd.s32 v1, v4;
	_ =	sdelay $0x1  }
0x15b: {  	v3 =	vadd.s32 v1, v3;
	_ =	sdelay $0x1  }
0x15c: {  	s15 =	simm.s32 $0xD200  }
0x15d: {  	[tilespmem:s15], [sflag:$0x1] =	stream.indirect_vreg.gather [hbm4b:s3+s2], $0x80, v4, vm0, $0xb8;
	[tilespmem:$0x10200] =	vst v63  }
0x15e: {  	s15 =	simm.s32 $0xDA00  }
0x15f: {  	[tilespmem:s15], [sflag:$0x1] =	stream.indirect_vreg.gather [hbm4b:s3+s2], $0x80, v3, vm0, $0xb8;
	[tilespmem:$0x10200] =	vst v63  }
0x160: {  	v3 =	vld [tilespmem:$0x1E0];
	_ =	sdelay $0x4  }
0x161: {  	v62 =	vshll.u32 v3, $0x1  }
0x162: {  	v3 =	vand.u32 $0x7, v3;
	v4 =	vand.u32 $0xFFFFFFF0, v62  }
0x163: {  	v3 =	vor.u32 v3, v4  }
0x164: {  	v4 =	vperm.xlane v3, v0;
	_ =	sdelay $0x1  }
0x165: {  	v3 =	vperm.xlane v3, v2;
	v4 =	vadd.s32 v1, v4;
	_ =	sdelay $0x1  }
0x166: {  	v3 =	vadd.s32 v1, v3;
	_ =	sdelay $0x1  }
0x167: {  	s15 =	simm.s32 $0xE200  }
0x168: {  	[tilespmem:s15], [sflag:$0x1] =	stream.indirect_vreg.gather [hbm4b:s3+s2], $0x80, v4, vm0, $0xb8;
	[tilespmem:$0x10200] =	vst v63  }
0x169: {  	s15 =	simm.s32 $0xEA00  }
0x16a: {  	[tilespmem:s15], [sflag:$0x1] =	stream.indirect_vreg.gather [hbm4b:s3+s2], $0x80, v3, vm0, $0xb8;
	[tilespmem:$0x10200] =	vst v63  }
0x16b: {  	v3 =	vld [tilespmem:$0x1F0];
	_ =	sdelay $0x4  }
0x16c: {  	v63 =	vshll.u32 v3, $0x1  }
0x16d: {  	v3 =	vand.u32 $0x7, v3;
	v4 =	vand.u32 $0xFFFFFFF0, v63  }
0x16e: {  	v3 =	vor.u32 v3, v4  }
0x16f: {  	v4 =	vperm.xlane v3, v0;
	_ =	sdelay $0x1  }
0x170: {  	v3 =	vperm.xlane v3, v2;
	v4 =	vadd.s32 v1, v4;
	_ =	sdelay $0x1  }
0x171: {  	v3 =	vadd.s32 v1, v3;
	_ =	sdelay $0x1  }
0x172: {  	s15 =	simm.s32 $0xF200  }
0x173: {  	[tilespmem:s15], [sflag:$0x1] =	stream.indirect_vreg.gather [hbm4b:s3+s2], $0x80, v4, vm0, $0xb8;
	[tilespmem:$0x10200] =	vst v63  }
0x174: {  	s0 =	simm.s32 $0xFA00  }
0x175: {  	[tilespmem:s0], [sflag:$0x1] =	stream.indirect_vreg.gather [hbm4b:s3+s2], $0x80, v3, vm0, $0xb8;
	[tilespmem:$0x10200] =	vst v63  }
0x176: {  	s12 =	simm.s32 $0x200;
	s15 =	rddreg [dreg:$0x6]  }
0x177: {  	[hbm4b:s15+s2] =	stream.linear.scatter [tilespmem:s12], [sflag:$0x2], $0x8000, $0x38;
	[tilespmem:$0x10200] =	vst v63  }
0x178: {  	_ =	swait.ge [sflag:s6], $0x8000  }
0x179: {  	[sflag:s6] =	ssyncset.done $0x0  }
0x17a: {  	[sflag:s6] =	ssyncadd.s32 $0xFFFF8000  }
0x17b: {  	_ =	swait.ge [sflag:s23], $0x8000  }
0x17c: {  	p0 =	sne.s32 s5, $0x1;
	[sflag:s23] =	ssyncset.done $0x0  }
.Ltmp0:
0x17d: {  	s12 =	rddreg [dreg:$0x7];
	[sflag:s23] =	ssyncadd.s32 $0xFFFF8000;
	(pc) =	sbr.rel @p0 .LBB2_1-.Ltmp0, $4  }
0x17e: {  	[hbm4b:s12+s2] =	stream.linear.scatter [tilespmem:s1], [sflag:$0x2], $0x8000, $0x38;
	[tilespmem:$0x10200] =	vst v63  }
0x17f: {  	_ =	swait.ge [sflag:s6], $0x8000  }
0x180: {  	[sflag:s6] =	ssyncset.done $0x0  }
0x181: {  	s5 =	sadd.s32 $0xFFFFFFFF, s5;
	[sflag:s6] =	ssyncadd.s32 $0xFFFF8000  }
0x182: {  	_ =	sfence.sel $0x180000  }
0x183: {  	[bflag:$0x0] =	sbarrier.arrive $0xFFFF  }
0x184: {  	_ =	strace $0x90000047  }
0x185: {  	s0 =	stileid.u32;
	[bflag:$0x2] =	sbarrier.arrive $0xFFFF  }
0x186: {  	p0 =	sne.s32 s0, $0x0;
	s0 =	rddreg [dreg:$0x3]  }
0x187: {  	s0 =	sadd.s32 @!p0 $0x100000, s0  }
0x188: {  	[sflag:s0] =	ssyncadd.tile.s32 @!p0 $0x1;
	_ =	shalt  }
.Lfunc_end2:
_tile_overlayer_lowered:
.L_overlay_start_2:
0x189: {  	(tag) =	ssettag $0x2  }
0x18a: {  	s0 =	rddreg [dreg:$0x0];
	s2 =	stileid.u32  }
0x18b: {  	s1 =	rddreg [dreg:$0x1];
	p0 =	sne.s32 s2, $0x0  }
0x18c: {  	s3 =	rddreg [dreg:$0x2];
	[bflag:$0x3] =	sbarrier.arrive $0xFFFF;
	s2 =	simm.s32 @!p0 $0x1C02  }
0x18d: {  	[timem:s3], [sflag:s2] =	dma.local @!p0 [hbm:s0], s1  }
0x18e: {  	s0 =	simm.s32 @!p0 $0x2  }
0x18f: {  	_ =	swait.ge @!p0 [sflag:s0], s1  }
0x190: {  	s1 =	ssub.s32 @!p0 $0x0, s1;
	[sflag:s0] =	ssyncset.done @!p0 $0x0  }
0x191: {  	[sflag:s0] =	ssyncadd.s32 @!p0 s1  }
0x192: {  	[bflag:$0x3] =	sbarrier.arrive $0xFFFF  }
0x193: {  	_ =	shalt  }

</sc_bundles>
